<compile_context>
chip_gen: v7x
topology: tpu7x:2x2x1
jax: 0.10.2.dev20260603
libtpu: 0.0.44.dev20260713+nightly
codegen_flags: <defaults>
</compile_context>

<pallas_src>
import functools

import jax
import jax.numpy as jnp
from jax import lax
from jax.experimental import pallas as pl
from jax.experimental.pallas import tpu as pltpu
from jax.experimental.pallas import tpu_sc as plsc

_OUT_LEN = 4096
_IN_LEN = 8192
_B = 32
_C = 32
_NPAIR = _B * _C

_INFO = plsc.get_sparse_core_info()
_NC = _INFO.num_cores
_NS = _INFO.num_subcores
_NW = _NC * _NS
_ROWS_PER_W = _NPAIR // _NW
_NBUF = 4


@functools.partial(
    pl.kernel,
    out_type=jax.ShapeDtypeStruct((_NPAIR, _OUT_LEN), jnp.float32),
    mesh=plsc.VectorSubcoreMesh(core_axis_name="c", subcore_axis_name="s"),
    scratch_types=(
        [pltpu.VMEM((_IN_LEN,), jnp.float32) for _ in range(_NBUF)]
        + [pltpu.VMEM((_OUT_LEN,), jnp.float32) for _ in range(_NBUF)]
        + [
            pltpu.VMEM((_OUT_LEN,), jnp.float32),
            pltpu.VMEM((128,), jnp.float32),
        ]
        + [pltpu.SemaphoreType.DMA for _ in range(2 * _NBUF)]
    ),
    compiler_params=pltpu.CompilerParams(needs_layout_passes=False),
)
def _sc_interp(sigT_hbm, traf_hbm, lin_hbm, out_hbm, *scratch):
    rows = scratch[:_NBUF]
    orows = scratch[_NBUF:2 * _NBUF]
    lin_v = scratch[2 * _NBUF]
    traf_v = scratch[2 * _NBUF + 1]
    sis = scratch[2 * _NBUF + 2:2 * _NBUF + 2 + _NBUF]
    sos = scratch[2 * _NBUF + 2 + _NBUF:]

    wid = lax.axis_index("s") * _NC + lax.axis_index("c")
    base = wid * _ROWS_PER_W
    pltpu.sync_copy(lin_hbm, lin_v)
    pltpu.sync_copy(
        traf_hbm.at[pl.ds(base * 2, _ROWS_PER_W * 2)],
        traf_v.at[pl.ds(0, _ROWS_PER_W * 2)],
    )
    for b in range(_NBUF):
        pltpu.async_copy(sigT_hbm.at[base + b], rows[b], sis[b])

    lim = jnp.float32(_IN_LEN - 1)

    def do_row(p, j, row_v, orow_v, so):
        a0 = plsc.load_gather(traf_v, [jnp.full((16,), 2 * j, jnp.int32)])
        a1 = plsc.load_gather(traf_v, [jnp.full((16,), 2 * j + 1, jnp.int32)])
        scale_a = a0 * jnp.float32(4096.0)
        scale_b = a1 * jnp.float32(4096.0)

        @plsc.parallel_loop(0, _OUT_LEN, step=16, unroll=8)
        def blk(i):
            linv = lin_v[pl.ds(i, 16)]
            x = scale_a * linv + scale_b
            x0i = jnp.minimum(x, lim).astype(jnp.int32)
            x0f = x0i.astype(jnp.float32)
            x1f = jnp.minimum(x0f + jnp.float32(1.0), lim)
            v0 = plsc.load_gather(row_v, [x0i])
            v1 = plsc.load_gather(row_v, [x1f.astype(jnp.int32)])
            w0 = x1f - x
            w1 = x - x0f
            orow_v[pl.ds(i, 16)] = w0 * v0 + w1 * v1

        pltpu.async_copy(orow_v, out_hbm.at[p], so)

    def group_body(k, carry):
        for b in range(_NBUF):
            j = k * _NBUF + b
            p = base + j
            pltpu.make_async_copy(sigT_hbm.at[p], rows[b], sis[b]).wait()

            @pl.when(k > 0)
            def _():
                pltpu.make_async_copy(
                    orows[b], out_hbm.at[p - _NBUF], sos[b]
                ).wait()

            do_row(p, j, rows[b], orows[b], sos[b])

            @pl.when(j + _NBUF < _ROWS_PER_W)
            def _():
                pltpu.async_copy(sigT_hbm.at[p + _NBUF], rows[b], sis[b])

        return carry

    lax.fori_loop(0, _ROWS_PER_W // _NBUF, group_body, 0)
    for b in range(_NBUF):
        pltpu.make_async_copy(
            orows[b], out_hbm.at[base + _ROWS_PER_W - _NBUF + b], sos[b]
        ).wait()


def kernel(transformation, sig):
    sigT = jnp.transpose(sig, (0, 2, 1)).reshape(_NPAIR, _IN_LEN)
    traf = lax.reduce_precision(
        transformation.reshape(_NPAIR * 2), exponent_bits=8, mantissa_bits=7
    )
    lin = lax.reduce_precision(
        jnp.linspace(0.0, 1.0, _OUT_LEN), exponent_bits=8, mantissa_bits=7
    )
    outT = _sc_interp(sigT, traf, lin)
    return jnp.transpose(outT.reshape(_B, _C, _OUT_LEN), (0, 2, 1))

# --- scband reference (transcript-rebuilt; emitter-appended) ---
"""Pipeline reference for scband-stn-1-d-noweights-multi-channel-75617194213393 (READ-ONLY COPY).

The authoritative reference and input builder live on the scoring server;
editing this copy changes nothing except your own understanding.
"""

import jax, jax.numpy as jnp
import numpy as np

OUT_LEN = 4096
OUT_CH = 32


def setup_inputs(seed: int = 0) -> dict:
    key = jax.random.key(seed)
    k1, k2 = jax.random.split(key)
    transformation = jax.random.uniform(k1, (32, 32, 2), dtype=jnp.float32)
    sig = jax.random.normal(k2, (32, 8192, 32), dtype=jnp.float32)
    return {"transformation": transformation, "sig": sig}


def _interpolate(signal, x, output_size):
    batch_size = signal.shape[0]
    t_len = signal.shape[1]
    num_channels = signal.shape[2]
    x = x.astype(jnp.float32)
    scale = jnp.float32(output_size[0])
    x = x * scale
    x0 = jnp.floor(x).astype(jnp.int32)
    x1 = x0 + 1
    max_x = t_len - 1
    x0 = jnp.clip(x0, 0, max_x)
    x1 = jnp.clip(x1, 0, max_x)
    pts_batch = jnp.arange(batch_size * num_channels, dtype=jnp.int32) * t_len
    # _repeat: each element repeated output_size[0] times consecutively
    base = jnp.repeat(pts_batch, output_size[0])
    ind_0 = base + x0
    ind_1 = base + x1
    flat_signal = jnp.transpose(signal, (0, 2, 1)).reshape(-1).astype(jnp.float32)
    pts_values_0 = jnp.take(flat_signal, ind_0)
    pts_values_1 = jnp.take(flat_signal, ind_1)
    x0f = x0.astype(jnp.float32)
    x1f = x1.astype(jnp.float32)
    w_0 = x1f - x
    w_1 = x - x0f
    output = w_0 * pts_values_0 + w_1 * pts_values_1
    output = output.reshape(-1, output_size[1], output_size[0])
    output = jnp.transpose(output, (0, 2, 1))
    return output


def _meshgrid(t_length):
    x_linspace = jnp.linspace(0.0, 1.0, t_length)
    ones = jnp.ones_like(x_linspace)
    return jnp.concatenate([x_linspace, ones], axis=0)


def reference(transformation, sig):
    output_size = (OUT_LEN, OUT_CH)
    batch_size = sig.shape[0]
    num_channels = sig.shape[2]
    t_len = output_size[0]
    indices_grid = _meshgrid(t_len)
    indices_grid = jnp.tile(indices_grid, batch_size * num_channels)
    indices_grid = indices_grid.reshape(batch_size, num_channels, 2, -1)
    aff = transformation.reshape(-1, num_channels, 1, 2).astype(jnp.float32)
    transformed_grid = jnp.matmul(aff, indices_grid)
    x_s_flatten = transformed_grid.reshape(-1)
    return _interpolate(sig, x_s_flatten, output_size)

if __name__ == "__main__":
    import jax
    _d = setup_inputs()
    print(jax.jit(kernel)(*tuple(_d.values())))

</pallas_src>

<mosaic_0001>
#map = affine_map<(d0, d1) -> (0, 0)>
#map1 = affine_map<(d0, d1) -> (0)>
module attributes {stable_mosaic.version = 14 : i64} {
  func.func @_sc_interp(%arg0: i32, %arg1: i32, %arg2: memref<1024x8192xf32, #tpu.memory_space<hbm>>, %arg3: memref<2048xf32, #tpu.memory_space<hbm>>, %arg4: memref<4096xf32, #tpu.memory_space<hbm>>, %arg5: memref<1024x4096xf32, #tpu.memory_space<hbm>>, %arg6: memref<8192xf32, #tpu.memory_space<vmem>>, %arg7: memref<8192xf32, #tpu.memory_space<vmem>>, %arg8: memref<8192xf32, #tpu.memory_space<vmem>>, %arg9: memref<8192xf32, #tpu.memory_space<vmem>>, %arg10: memref<4096xf32, #tpu.memory_space<vmem>>, %arg11: memref<4096xf32, #tpu.memory_space<vmem>>, %arg12: memref<4096xf32, #tpu.memory_space<vmem>>, %arg13: memref<4096xf32, #tpu.memory_space<vmem>>, %arg14: memref<4096xf32, #tpu.memory_space<vmem>>, %arg15: memref<128xf32, #tpu.memory_space<vmem>>, %arg16: memref<!tpu.dma_semaphore, #tpu.memory_space<semaphore_mem>>, %arg17: memref<!tpu.dma_semaphore, #tpu.memory_space<semaphore_mem>>, %arg18: memref<!tpu.dma_semaphore, #tpu.memory_space<semaphore_mem>>, %arg19: memref<!tpu.dma_semaphore, #tpu.memory_space<semaphore_mem>>, %arg20: memref<!tpu.dma_semaphore, #tpu.memory_space<semaphore_mem>>, %arg21: memref<!tpu.dma_semaphore, #tpu.memory_space<semaphore_mem>>, %arg22: memref<!tpu.dma_semaphore, #tpu.memory_space<semaphore_mem>>, %arg23: memref<!tpu.dma_semaphore, #tpu.memory_space<semaphore_mem>>) attributes {dimension_semantics = [#tpu.dimension_semantics<core_parallel>, #tpu.dimension_semantics<subcore_parallel>], iteration_bounds = array<i64: 2, 16>, scalar_prefetch = 0 : i64, scratch_operands = 18 : i64, tpu.core_type = #tpu.core_type<sc_vector_subcore>, window_params = [{transform_indices = #map}, {transform_indices = #map1}, {transform_indices = #map1}, {transform_indices = #map}]} {
    %mul3A = arith.constant 2 : i32
    %mul3A_0 = arith.muli %arg1, %mul3A : i32
    %add3A = arith.addi %mul3A_0, %arg0 : i32
    %mul3A_1 = arith.constant 32 : i32
    %mul3A_2 = arith.muli %add3A, %mul3A_1 : i32
    "tpu.region"() ({
      %run_scoped3A = tpu.sem_alloc : memref<!tpu.dma_semaphore, #tpu.memory_space<semaphore_mem>>
      tpu.enqueue_dma source(%arg4 : memref<4096xf32, #tpu.memory_space<hbm>>) target(%arg14 : memref<4096xf32, #tpu.memory_space<vmem>>) target_semaphore(%run_scoped3A : memref<!tpu.dma_semaphore, #tpu.memory_space<semaphore_mem>>)
      tpu.wait_dma2 semaphore(%run_scoped3A : memref<!tpu.dma_semaphore, #tpu.memory_space<semaphore_mem>>) src(%arg4 : memref<4096xf32, #tpu.memory_space<hbm>>) dst(%arg14 : memref<4096xf32, #tpu.memory_space<vmem>>)
      tpu.yield
    }) : () -> ()
    %mul3A_3 = arith.constant 2 : i32
    %mul3A_4 = arith.muli %mul3A_2, %mul3A_3 : i32
    "tpu.region"() ({
      %run_scoped3A = tpu.sem_alloc : memref<!tpu.dma_semaphore, #tpu.memory_space<semaphore_mem>>
      %dma_start3A_88 = arith.constant 0 : i32
      %dma_start3A_89 = tpu.memref_slice %arg15[%dma_start3A_88] : memref<128xf32, #tpu.memory_space<vmem>> -> memref<64xf32, #tpu.memory_space<vmem>>
      %dma_start3A_90 = tpu.memref_slice %arg3[%mul3A_4] : memref<2048xf32, #tpu.memory_space<hbm>> -> memref<64xf32, #tpu.memory_space<hbm>>
      %dma_start3A_91 = arith.constant 0 : i32
      %dma_start3A_92 = tpu.memref_slice %arg15[%dma_start3A_91] : memref<128xf32, #tpu.memory_space<vmem>> -> memref<64xf32, #tpu.memory_space<vmem>>
      %dma_start3A_93 = tpu.memref_slice %arg3[%mul3A_4] : memref<2048xf32, #tpu.memory_space<hbm>> -> memref<64xf32, #tpu.memory_space<hbm>>
      tpu.enqueue_dma source(%dma_start3A_93 : memref<64xf32, #tpu.memory_space<hbm>>) target(%dma_start3A_92 : memref<64xf32, #tpu.memory_space<vmem>>) target_semaphore(%run_scoped3A : memref<!tpu.dma_semaphore, #tpu.memory_space<semaphore_mem>>)
      %dma_wait3A_94 = arith.constant 0 : i32
      %dma_wait3A_95 = tpu.memref_slice %arg15[%dma_wait3A_94] : memref<128xf32, #tpu.memory_space<vmem>> -> memref<64xf32, #tpu.memory_space<vmem>>
      %dma_wait3A_96 = tpu.memref_slice %arg3[%mul3A_4] : memref<2048xf32, #tpu.memory_space<hbm>> -> memref<64xf32, #tpu.memory_space<hbm>>
      %dma_wait3A_97 = arith.constant 0 : i32
      %dma_wait3A_98 = tpu.memref_slice %arg15[%dma_wait3A_97] : memref<128xf32, #tpu.memory_space<vmem>> -> memref<64xf32, #tpu.memory_space<vmem>>
      %dma_wait3A_99 = tpu.memref_slice %arg3[%mul3A_4] : memref<2048xf32, #tpu.memory_space<hbm>> -> memref<64xf32, #tpu.memory_space<hbm>>
      tpu.wait_dma2 semaphore(%run_scoped3A : memref<!tpu.dma_semaphore, #tpu.memory_space<semaphore_mem>>) src(%dma_wait3A_99 : memref<64xf32, #tpu.memory_space<hbm>>) dst(%dma_wait3A_98 : memref<64xf32, #tpu.memory_space<vmem>>)
      tpu.yield
    }) : () -> ()
    %add3A_5 = arith.constant 0 : i32
    %add3A_6 = arith.addi %mul3A_2, %add3A_5 : i32
    %dma_start3A = arith.constant 0 : i32
    %dma_start3A_7 = tpu.memref_slice %arg2[%add3A_6, %dma_start3A] : memref<1024x8192xf32, #tpu.memory_space<hbm>> -> memref<1x8192xf32, #tpu.memory_space<hbm>>
    %dma_start3A_8 = tpu.memref_squeeze %dma_start3A_7 : memref<1x8192xf32, #tpu.memory_space<hbm>> -> memref<8192xf32, #tpu.memory_space<hbm>>
    %dma_start3A_9 = arith.constant 0 : i32
    %dma_start3A_10 = tpu.memref_slice %arg2[%add3A_6, %dma_start3A_9] : memref<1024x8192xf32, #tpu.memory_space<hbm>> -> memref<1x8192xf32, #tpu.memory_space<hbm>>
    %dma_start3A_11 = tpu.memref_squeeze %dma_start3A_10 : memref<1x8192xf32, #tpu.memory_space<hbm>> -> memref<8192xf32, #tpu.memory_space<hbm>>
    tpu.enqueue_dma source(%dma_start3A_11 : memref<8192xf32, #tpu.memory_space<hbm>>) target(%arg6 : memref<8192xf32, #tpu.memory_space<vmem>>) target_semaphore(%arg16 : memref<!tpu.dma_semaphore, #tpu.memory_space<semaphore_mem>>)
    %add3A_12 = arith.constant 1 : i32
    %add3A_13 = arith.addi %mul3A_2, %add3A_12 : i32
    %dma_start3A_14 = arith.constant 0 : i32
    %dma_start3A_15 = tpu.memref_slice %arg2[%add3A_13, %dma_start3A_14] : memref<1024x8192xf32, #tpu.memory_space<hbm>> -> memref<1x8192xf32, #tpu.memory_space<hbm>>
    %dma_start3A_16 = tpu.memref_squeeze %dma_start3A_15 : memref<1x8192xf32, #tpu.memory_space<hbm>> -> memref<8192xf32, #tpu.memory_space<hbm>>
    %dma_start3A_17 = arith.constant 0 : i32
    %dma_start3A_18 = tpu.memref_slice %arg2[%add3A_13, %dma_start3A_17] : memref<1024x8192xf32, #tpu.memory_space<hbm>> -> memref<1x8192xf32, #tpu.memory_space<hbm>>
    %dma_start3A_19 = tpu.memref_squeeze %dma_start3A_18 : memref<1x8192xf32, #tpu.memory_space<hbm>> -> memref<8192xf32, #tpu.memory_space<hbm>>
    tpu.enqueue_dma source(%dma_start3A_19 : memref<8192xf32, #tpu.memory_space<hbm>>) target(%arg7 : memref<8192xf32, #tpu.memory_space<vmem>>) target_semaphore(%arg17 : memref<!tpu.dma_semaphore, #tpu.memory_space<semaphore_mem>>)
    %add3A_20 = arith.constant 2 : i32
    %add3A_21 = arith.addi %mul3A_2, %add3A_20 : i32
    %dma_start3A_22 = arith.constant 0 : i32
    %dma_start3A_23 = tpu.memref_slice %arg2[%add3A_21, %dma_start3A_22] : memref<1024x8192xf32, #tpu.memory_space<hbm>> -> memref<1x8192xf32, #tpu.memory_space<hbm>>
    %dma_start3A_24 = tpu.memref_squeeze %dma_start3A_23 : memref<1x8192xf32, #tpu.memory_space<hbm>> -> memref<8192xf32, #tpu.memory_space<hbm>>
    %dma_start3A_25 = arith.constant 0 : i32
    %dma_start3A_26 = tpu.memref_slice %arg2[%add3A_21, %dma_start3A_25] : memref<1024x8192xf32, #tpu.memory_space<hbm>> -> memref<1x8192xf32, #tpu.memory_space<hbm>>
    %dma_start3A_27 = tpu.memref_squeeze %dma_start3A_26 : memref<1x8192xf32, #tpu.memory_space<hbm>> -> memref<8192xf32, #tpu.memory_space<hbm>>
    tpu.enqueue_dma source(%dma_start3A_27 : memref<8192xf32, #tpu.memory_space<hbm>>) target(%arg8 : memref<8192xf32, #tpu.memory_space<vmem>>) target_semaphore(%arg18 : memref<!tpu.dma_semaphore, #tpu.memory_space<semaphore_mem>>)
    %add3A_28 = arith.constant 3 : i32
    %add3A_29 = arith.addi %mul3A_2, %add3A_28 : i32
    %dma_start3A_30 = arith.constant 0 : i32
    %dma_start3A_31 = tpu.memref_slice %arg2[%add3A_29, %dma_start3A_30] : memref<1024x8192xf32, #tpu.memory_space<hbm>> -> memref<1x8192xf32, #tpu.memory_space<hbm>>
    %dma_start3A_32 = tpu.memref_squeeze %dma_start3A_31 : memref<1x8192xf32, #tpu.memory_space<hbm>> -> memref<8192xf32, #tpu.memory_space<hbm>>
    %dma_start3A_33 = arith.constant 0 : i32
    %dma_start3A_34 = tpu.memref_slice %arg2[%add3A_29, %dma_start3A_33] : memref<1024x8192xf32, #tpu.memory_space<hbm>> -> memref<1x8192xf32, #tpu.memory_space<hbm>>
    %dma_start3A_35 = tpu.memref_squeeze %dma_start3A_34 : memref<1x8192xf32, #tpu.memory_space<hbm>> -> memref<8192xf32, #tpu.memory_space<hbm>>
    tpu.enqueue_dma source(%dma_start3A_35 : memref<8192xf32, #tpu.memory_space<hbm>>) target(%arg9 : memref<8192xf32, #tpu.memory_space<vmem>>) target_semaphore(%arg19 : memref<!tpu.dma_semaphore, #tpu.memory_space<semaphore_mem>>)
    %scan3A = arith.constant 0 : i32
    %scan3A_36 = arith.constant 8.191000e+03 : f32
    %scan3A_37 = arith.constant 0 : i32
    %scan3A_38 = arith.constant 8 : i32
    %scan3A_39 = arith.addi %scan3A_37, %scan3A_38 : i32
    %scan3A_40 = arith.constant 1 : i32
    scf.for %scan3A_88 = %scan3A_37 to %scan3A_39 step %scan3A_40  : i32 {
      %mul3A_89 = arith.constant 4 : i32
      %mul3A_90 = arith.muli %scan3A_88, %mul3A_89 : i32
      %add3A_91 = arith.constant 0 : i32
      %add3A_92 = arith.addi %mul3A_90, %add3A_91 : i32
      %add3A_93 = arith.addi %mul3A_2, %add3A_92 : i32
      %dma_wait3A_94 = arith.constant 0 : i32
      %dma_wait3A_95 = tpu.memref_slice %arg2[%add3A_93, %dma_wait3A_94] : memref<1024x8192xf32, #tpu.memory_space<hbm>> -> memref<1x8192xf32, #tpu.memory_space<hbm>>
      %dma_wait3A_96 = tpu.memref_squeeze %dma_wait3A_95 : memref<1x8192xf32, #tpu.memory_space<hbm>> -> memref<8192xf32, #tpu.memory_space<hbm>>
      %dma_wait3A_97 = arith.constant 0 : i32
      %dma_wait3A_98 = tpu.memref_slice %arg2[%add3A_93, %dma_wait3A_97] : memref<1024x8192xf32, #tpu.memory_space<hbm>> -> memref<1x8192xf32, #tpu.memory_space<hbm>>
      %dma_wait3A_99 = tpu.memref_squeeze %dma_wait3A_98 : memref<1x8192xf32, #tpu.memory_space<hbm>> -> memref<8192xf32, #tpu.memory_space<hbm>>
      tpu.wait_dma2 semaphore(%arg16 : memref<!tpu.dma_semaphore, #tpu.memory_space<semaphore_mem>>) src(%dma_wait3A_99 : memref<8192xf32, #tpu.memory_space<hbm>>) dst(%arg6 : memref<8192xf32, #tpu.memory_space<vmem>>)
      %gt3A = arith.constant 0 : i32
      %gt3A_100 = arith.cmpi sgt, %scan3A_88, %gt3A : i32
      %convert_element_type3A = arith.extui %gt3A_100 : i1 to i32
      %cond3A = arith.constant 0 : i32
      %cond3A_101 = arith.cmpi ne, %convert_element_type3A, %cond3A : i32
      scf.if %cond3A_101 {
        %sub3A_274 = arith.constant 4 : i32
        %sub3A_275 = arith.subi %add3A_93, %sub3A_274 : i32
        %dma_wait3A_276 = arith.constant 0 : i32
        %dma_wait3A_277 = tpu.memref_slice %arg5[%sub3A_275, %dma_wait3A_276] : memref<1024x4096xf32, #tpu.memory_space<hbm>> -> memref<1x4096xf32, #tpu.memory_space<hbm>>
        %dma_wait3A_278 = tpu.memref_squeeze %dma_wait3A_277 : memref<1x4096xf32, #tpu.memory_space<hbm>> -> memref<4096xf32, #tpu.memory_space<hbm>>
        %dma_wait3A_279 = arith.constant 0 : i32
        %dma_wait3A_280 = tpu.memref_slice %arg5[%sub3A_275, %dma_wait3A_279] : memref<1024x4096xf32, #tpu.memory_space<hbm>> -> memref<1x4096xf32, #tpu.memory_space<hbm>>
        %dma_wait3A_281 = tpu.memref_squeeze %dma_wait3A_280 : memref<1x4096xf32, #tpu.memory_space<hbm>> -> memref<4096xf32, #tpu.memory_space<hbm>>
        tpu.wait_dma2 semaphore(%arg20 : memref<!tpu.dma_semaphore, #tpu.memory_space<semaphore_mem>>) src(%arg10 : memref<4096xf32, #tpu.memory_space<vmem>>) dst(%dma_wait3A_281 : memref<4096xf32, #tpu.memory_space<hbm>>)
      } else {
      }
      %mul3A_102 = arith.constant 2 : i32
      %mul3A_103 = arith.muli %mul3A_102, %add3A_92 : i32
      %broadcast_in_dim3A = vector.broadcast %mul3A_103 : i32 to vector<16xi32>
      %gather3A = tpu.vector_load_idx %arg15[%broadcast_in_dim3A] : memref<128xf32, #tpu.memory_space<vmem>>[vector<16xi32>], vector<16xf32>,
      %mul3A_104 = arith.constant 2 : i32
      %mul3A_105 = arith.muli %mul3A_104, %add3A_92 : i32
      %add3A_106 = arith.constant 1 : i32
      %add3A_107 = arith.addi %mul3A_105, %add3A_106 : i32
      %broadcast_in_dim3A_108 = vector.broadcast %add3A_107 : i32 to vector<16xi32>
      %gather3A_109 = tpu.vector_load_idx %arg15[%broadcast_in_dim3A_108] : memref<128xf32, #tpu.memory_space<vmem>>[vector<16xi32>], vector<16xf32>,
      %mul3A_110 = arith.constant 4.096000e+03 : f32
      %mul3A_111 = vector.broadcast %mul3A_110 : f32 to vector<16xf32>
      %mul3A_112 = arith.mulf %gather3A, %mul3A_111 : vector<16xf32>
      %mul3A_113 = arith.constant 4.096000e+03 : f32
      %mul3A_114 = vector.broadcast %mul3A_113 : f32 to vector<16xf32>
      %mul3A_115 = arith.mulf %gather3A_109, %mul3A_114 : vector<16xf32>
      %parallel_loop3A = arith.constant 0 : i32
      %parallel_loop3A_116 = arith.constant 4096 : i32
      %parallel_loop3A_117 = arith.constant 16 : i32
      scf.for %parallel_loop3A_274 = %parallel_loop3A to %parallel_loop3A_116 step %parallel_loop3A_117  : i32 {
        %parallel_loop3A_275 = arith.index_cast %parallel_loop3A_274 : i32 to index
        %parallel_loop3A_276 = tpu.vector_load %arg14[%parallel_loop3A_275] {strides = array<i32>} : memref<4096xf32, #tpu.memory_space<vmem>>, vector<16xf32>,
        %parallel_loop3A_277 = arith.mulf %mul3A_112, %parallel_loop3A_276 : vector<16xf32>
        %parallel_loop3A_278 = arith.addf %parallel_loop3A_277, %mul3A_115 : vector<16xf32>
        %parallel_loop3A_279 = vector.broadcast %scan3A_36 : f32 to vector<16xf32>
        %parallel_loop3A_280 = arith.minimumf %parallel_loop3A_278, %parallel_loop3A_279 : vector<16xf32>
        %parallel_loop3A_281 = arith.fptosi %parallel_loop3A_280 : vector<16xf32> to vector<16xi32>
        %parallel_loop3A_282 = arith.sitofp %parallel_loop3A_281 : vector<16xi32> to vector<16xf32>
        %parallel_loop3A_283 = arith.constant 1.000000e+00 : f32
        %parallel_loop3A_284 = vector.broadcast %parallel_loop3A_283 : f32 to vector<16xf32>
        %parallel_loop3A_285 = arith.addf %parallel_loop3A_282, %parallel_loop3A_284 : vector<16xf32>
        %parallel_loop3A_286 = vector.broadcast %scan3A_36 : f32 to vector<16xf32>
        %parallel_loop3A_287 = arith.minimumf %parallel_loop3A_285, %parallel_loop3A_286 : vector<16xf32>
        %parallel_loop3A_288 = tpu.vector_load_idx %arg6[%parallel_loop3A_281] : memref<8192xf32, #tpu.memory_space<vmem>>[vector<16xi32>], vector<16xf32>,
        %parallel_loop3A_289 = arith.fptosi %parallel_loop3A_287 : vector<16xf32> to vector<16xi32>
        %parallel_loop3A_290 = tpu.vector_load_idx %arg6[%parallel_loop3A_289] : memref<8192xf32, #tpu.memory_space<vmem>>[vector<16xi32>], vector<16xf32>,
        %parallel_loop3A_291 = arith.subf %parallel_loop3A_287, %parallel_loop3A_278 : vector<16xf32>
        %parallel_loop3A_292 = arith.subf %parallel_loop3A_278, %parallel_loop3A_282 : vector<16xf32>
        %parallel_loop3A_293 = arith.mulf %parallel_loop3A_291, %parallel_loop3A_288 : vector<16xf32>
        %parallel_loop3A_294 = arith.mulf %parallel_loop3A_292, %parallel_loop3A_290 : vector<16xf32>
        %parallel_loop3A_295 = arith.addf %parallel_loop3A_293, %parallel_loop3A_294 : vector<16xf32>
        %parallel_loop3A_296 = arith.index_cast %parallel_loop3A_274 : i32 to index
        %parallel_loop3A_297 = tpu.vector_load %arg10[%parallel_loop3A_296] {strides = array<i32>} : memref<4096xf32, #tpu.memory_space<vmem>>, vector<16xf32>,
        tpu.vector_store %arg10[%parallel_loop3A_296], %parallel_loop3A_295 {strides = array<i32>} : memref<4096xf32, #tpu.memory_space<vmem>>, vector<16xf32>,
      } {sc.loop_unroll_factor = 8 : i64, sc.parallel_access}
      %dma_start3A_118 = arith.constant 0 : i32
      %dma_start3A_119 = tpu.memref_slice %arg5[%add3A_93, %dma_start3A_118] : memref<1024x4096xf32, #tpu.memory_space<hbm>> -> memref<1x4096xf32, #tpu.memory_space<hbm>>
      %dma_start3A_120 = tpu.memref_squeeze %dma_start3A_119 : memref<1x4096xf32, #tpu.memory_space<hbm>> -> memref<4096xf32, #tpu.memory_space<hbm>>
      %dma_start3A_121 = arith.constant 0 : i32
      %dma_start3A_122 = tpu.memref_slice %arg5[%add3A_93, %dma_start3A_121] : memref<1024x4096xf32, #tpu.memory_space<hbm>> -> memref<1x4096xf32, #tpu.memory_space<hbm>>
      %dma_start3A_123 = tpu.memref_squeeze %dma_start3A_122 : memref<1x4096xf32, #tpu.memory_space<hbm>> -> memref<4096xf32, #tpu.memory_space<hbm>>
      tpu.enqueue_dma source(%arg10 : memref<4096xf32, #tpu.memory_space<vmem>>) target(%dma_start3A_123 : memref<4096xf32, #tpu.memory_space<hbm>>) target_semaphore(%arg20 : memref<!tpu.dma_semaphore, #tpu.memory_space<semaphore_mem>>)
      %add3A_124 = arith.constant 4 : i32
      %add3A_125 = arith.addi %add3A_92, %add3A_124 : i32
      %lt3A = arith.constant 32 : i32
      %lt3A_126 = arith.cmpi slt, %add3A_125, %lt3A : i32
      %convert_element_type3A_127 = arith.extui %lt3A_126 : i1 to i32
      %cond3A_128 = arith.constant 0 : i32
      %cond3A_129 = arith.cmpi ne, %convert_element_type3A_127, %cond3A_128 : i32
      scf.if %cond3A_129 {
        %add3A_274 = arith.constant 4 : i32
        %add3A_275 = arith.addi %add3A_93, %add3A_274 : i32
        %dma_start3A_276 = arith.constant 0 : i32
        %dma_start3A_277 = tpu.memref_slice %arg2[%add3A_275, %dma_start3A_276] : memref<1024x8192xf32, #tpu.memory_space<hbm>> -> memref<1x8192xf32, #tpu.memory_space<hbm>>
        %dma_start3A_278 = tpu.memref_squeeze %dma_start3A_277 : memref<1x8192xf32, #tpu.memory_space<hbm>> -> memref<8192xf32, #tpu.memory_space<hbm>>
        %dma_start3A_279 = arith.constant 0 : i32
        %dma_start3A_280 = tpu.memref_slice %arg2[%add3A_275, %dma_start3A_279] : memref<1024x8192xf32, #tpu.memory_space<hbm>> -> memref<1x8192xf32, #tpu.memory_space<hbm>>
        %dma_start3A_281 = tpu.memref_squeeze %dma_start3A_280 : memref<1x8192xf32, #tpu.memory_space<hbm>> -> memref<8192xf32, #tpu.memory_space<hbm>>
        tpu.enqueue_dma source(%dma_start3A_281 : memref<8192xf32, #tpu.memory_space<hbm>>) target(%arg6 : memref<8192xf32, #tpu.memory_space<vmem>>) target_semaphore(%arg16 : memref<!tpu.dma_semaphore, #tpu.memory_space<semaphore_mem>>)
      } else {
      }
      %mul3A_130 = arith.constant 4 : i32
      %mul3A_131 = arith.muli %scan3A_88, %mul3A_130 : i32
      %add3A_132 = arith.constant 1 : i32
      %add3A_133 = arith.addi %mul3A_131, %add3A_132 : i32
      %add3A_134 = arith.addi %mul3A_2, %add3A_133 : i32
      %dma_wait3A_135 = arith.constant 0 : i32
      %dma_wait3A_136 = tpu.memref_slice %arg2[%add3A_134, %dma_wait3A_135] : memref<1024x8192xf32, #tpu.memory_space<hbm>> -> memref<1x8192xf32, #tpu.memory_space<hbm>>
      %dma_wait3A_137 = tpu.memref_squeeze %dma_wait3A_136 : memref<1x8192xf32, #tpu.memory_space<hbm>> -> memref<8192xf32, #tpu.memory_space<hbm>>
      %dma_wait3A_138 = arith.constant 0 : i32
      %dma_wait3A_139 = tpu.memref_slice %arg2[%add3A_134, %dma_wait3A_138] : memref<1024x8192xf32, #tpu.memory_space<hbm>> -> memref<1x8192xf32, #tpu.memory_space<hbm>>
      %dma_wait3A_140 = tpu.memref_squeeze %dma_wait3A_139 : memref<1x8192xf32, #tpu.memory_space<hbm>> -> memref<8192xf32, #tpu.memory_space<hbm>>
      tpu.wait_dma2 semaphore(%arg17 : memref<!tpu.dma_semaphore, #tpu.memory_space<semaphore_mem>>) src(%dma_wait3A_140 : memref<8192xf32, #tpu.memory_space<hbm>>) dst(%arg7 : memref<8192xf32, #tpu.memory_space<vmem>>)
      %gt3A_141 = arith.constant 0 : i32
      %gt3A_142 = arith.cmpi sgt, %scan3A_88, %gt3A_141 : i32
      %convert_element_type3A_143 = arith.extui %gt3A_142 : i1 to i32
      %cond3A_144 = arith.constant 0 : i32
      %cond3A_145 = arith.cmpi ne, %convert_element_type3A_143, %cond3A_144 : i32
      scf.if %cond3A_145 {
        %sub3A_274 = arith.constant 4 : i32
        %sub3A_275 = arith.subi %add3A_134, %sub3A_274 : i32
        %dma_wait3A_276 = arith.constant 0 : i32
        %dma_wait3A_277 = tpu.memref_slice %arg5[%sub3A_275, %dma_wait3A_276] : memref<1024x4096xf32, #tpu.memory_space<hbm>> -> memref<1x4096xf32, #tpu.memory_space<hbm>>
        %dma_wait3A_278 = tpu.memref_squeeze %dma_wait3A_277 : memref<1x4096xf32, #tpu.memory_space<hbm>> -> memref<4096xf32, #tpu.memory_space<hbm>>
        %dma_wait3A_279 = arith.constant 0 : i32
        %dma_wait3A_280 = tpu.memref_slice %arg5[%sub3A_275, %dma_wait3A_279] : memref<1024x4096xf32, #tpu.memory_space<hbm>> -> memref<1x4096xf32, #tpu.memory_space<hbm>>
        %dma_wait3A_281 = tpu.memref_squeeze %dma_wait3A_280 : memref<1x4096xf32, #tpu.memory_space<hbm>> -> memref<4096xf32, #tpu.memory_space<hbm>>
        tpu.wait_dma2 semaphore(%arg21 : memref<!tpu.dma_semaphore, #tpu.memory_space<semaphore_mem>>) src(%arg11 : memref<4096xf32, #tpu.memory_space<vmem>>) dst(%dma_wait3A_281 : memref<4096xf32, #tpu.memory_space<hbm>>)
      } else {
      }
      %mul3A_146 = arith.constant 2 : i32
      %mul3A_147 = arith.muli %mul3A_146, %add3A_133 : i32
      %broadcast_in_dim3A_148 = vector.broadcast %mul3A_147 : i32 to vector<16xi32>
      %gather3A_149 = tpu.vector_load_idx %arg15[%broadcast_in_dim3A_148] : memref<128xf32, #tpu.memory_space<vmem>>[vector<16xi32>], vector<16xf32>,
      %mul3A_150 = arith.constant 2 : i32
      %mul3A_151 = arith.muli %mul3A_150, %add3A_133 : i32
      %add3A_152 = arith.constant 1 : i32
      %add3A_153 = arith.addi %mul3A_151, %add3A_152 : i32
      %broadcast_in_dim3A_154 = vector.broadcast %add3A_153 : i32 to vector<16xi32>
      %gather3A_155 = tpu.vector_load_idx %arg15[%broadcast_in_dim3A_154] : memref<128xf32, #tpu.memory_space<vmem>>[vector<16xi32>], vector<16xf32>,
      %mul3A_156 = arith.constant 4.096000e+03 : f32
      %mul3A_157 = vector.broadcast %mul3A_156 : f32 to vector<16xf32>
      %mul3A_158 = arith.mulf %gather3A_149, %mul3A_157 : vector<16xf32>
      %mul3A_159 = arith.constant 4.096000e+03 : f32
      %mul3A_160 = vector.broadcast %mul3A_159 : f32 to vector<16xf32>
      %mul3A_161 = arith.mulf %gather3A_155, %mul3A_160 : vector<16xf32>
      %parallel_loop3A_162 = arith.constant 0 : i32
      %parallel_loop3A_163 = arith.constant 4096 : i32
      %parallel_loop3A_164 = arith.constant 16 : i32
      scf.for %parallel_loop3A_274 = %parallel_loop3A_162 to %parallel_loop3A_163 step %parallel_loop3A_164  : i32 {
        %parallel_loop3A_275 = arith.index_cast %parallel_loop3A_274 : i32 to index
        %parallel_loop3A_276 = tpu.vector_load %arg14[%parallel_loop3A_275] {strides = array<i32>} : memref<4096xf32, #tpu.memory_space<vmem>>, vector<16xf32>,
        %parallel_loop3A_277 = arith.mulf %mul3A_158, %parallel_loop3A_276 : vector<16xf32>
        %parallel_loop3A_278 = arith.addf %parallel_loop3A_277, %mul3A_161 : vector<16xf32>
        %parallel_loop3A_279 = vector.broadcast %scan3A_36 : f32 to vector<16xf32>
        %parallel_loop3A_280 = arith.minimumf %parallel_loop3A_278, %parallel_loop3A_279 : vector<16xf32>
        %parallel_loop3A_281 = arith.fptosi %parallel_loop3A_280 : vector<16xf32> to vector<16xi32>
        %parallel_loop3A_282 = arith.sitofp %parallel_loop3A_281 : vector<16xi32> to vector<16xf32>
        %parallel_loop3A_283 = arith.constant 1.000000e+00 : f32
        %parallel_loop3A_284 = vector.broadcast %parallel_loop3A_283 : f32 to vector<16xf32>
        %parallel_loop3A_285 = arith.addf %parallel_loop3A_282, %parallel_loop3A_284 : vector<16xf32>
        %parallel_loop3A_286 = vector.broadcast %scan3A_36 : f32 to vector<16xf32>
        %parallel_loop3A_287 = arith.minimumf %parallel_loop3A_285, %parallel_loop3A_286 : vector<16xf32>
        %parallel_loop3A_288 = tpu.vector_load_idx %arg7[%parallel_loop3A_281] : memref<8192xf32, #tpu.memory_space<vmem>>[vector<16xi32>], vector<16xf32>,
        %parallel_loop3A_289 = arith.fptosi %parallel_loop3A_287 : vector<16xf32> to vector<16xi32>
        %parallel_loop3A_290 = tpu.vector_load_idx %arg7[%parallel_loop3A_289] : memref<8192xf32, #tpu.memory_space<vmem>>[vector<16xi32>], vector<16xf32>,
        %parallel_loop3A_291 = arith.subf %parallel_loop3A_287, %parallel_loop3A_278 : vector<16xf32>
        %parallel_loop3A_292 = arith.subf %parallel_loop3A_278, %parallel_loop3A_282 : vector<16xf32>
        %parallel_loop3A_293 = arith.mulf %parallel_loop3A_291, %parallel_loop3A_288 : vector<16xf32>
        %parallel_loop3A_294 = arith.mulf %parallel_loop3A_292, %parallel_loop3A_290 : vector<16xf32>
        %parallel_loop3A_295 = arith.addf %parallel_loop3A_293, %parallel_loop3A_294 : vector<16xf32>
        %parallel_loop3A_296 = arith.index_cast %parallel_loop3A_274 : i32 to index
        %parallel_loop3A_297 = tpu.vector_load %arg11[%parallel_loop3A_296] {strides = array<i32>} : memref<4096xf32, #tpu.memory_space<vmem>>, vector<16xf32>,
        tpu.vector_store %arg11[%parallel_loop3A_296], %parallel_loop3A_295 {strides = array<i32>} : memref<4096xf32, #tpu.memory_space<vmem>>, vector<16xf32>,
      } {sc.loop_unroll_factor = 8 : i64, sc.parallel_access}
      %dma_start3A_165 = arith.constant 0 : i32
      %dma_start3A_166 = tpu.memref_slice %arg5[%add3A_134, %dma_start3A_165] : memref<1024x4096xf32, #tpu.memory_space<hbm>> -> memref<1x4096xf32, #tpu.memory_space<hbm>>
      %dma_start3A_167 = tpu.memref_squeeze %dma_start3A_166 : memref<1x4096xf32, #tpu.memory_space<hbm>> -> memref<4096xf32, #tpu.memory_space<hbm>>
      %dma_start3A_168 = arith.constant 0 : i32
      %dma_start3A_169 = tpu.memref_slice %arg5[%add3A_134, %dma_start3A_168] : memref<1024x4096xf32, #tpu.memory_space<hbm>> -> memref<1x4096xf32, #tpu.memory_space<hbm>>
      %dma_start3A_170 = tpu.memref_squeeze %dma_start3A_169 : memref<1x4096xf32, #tpu.memory_space<hbm>> -> memref<4096xf32, #tpu.memory_space<hbm>>
      tpu.enqueue_dma source(%arg11 : memref<4096xf32, #tpu.memory_space<vmem>>) target(%dma_start3A_170 : memref<4096xf32, #tpu.memory_space<hbm>>) target_semaphore(%arg21 : memref<!tpu.dma_semaphore, #tpu.memory_space<semaphore_mem>>)
      %add3A_171 = arith.constant 4 : i32
      %add3A_172 = arith.addi %add3A_133, %add3A_171 : i32
      %lt3A_173 = arith.constant 32 : i32
      %lt3A_174 = arith.cmpi slt, %add3A_172, %lt3A_173 : i32
      %convert_element_type3A_175 = arith.extui %lt3A_174 : i1 to i32
      %cond3A_176 = arith.constant 0 : i32
      %cond3A_177 = arith.cmpi ne, %convert_element_type3A_175, %cond3A_176 : i32
      scf.if %cond3A_177 {
        %add3A_274 = arith.constant 4 : i32
        %add3A_275 = arith.addi %add3A_134, %add3A_274 : i32
        %dma_start3A_276 = arith.constant 0 : i32
        %dma_start3A_277 = tpu.memref_slice %arg2[%add3A_275, %dma_start3A_276] : memref<1024x8192xf32, #tpu.memory_space<hbm>> -> memref<1x8192xf32, #tpu.memory_space<hbm>>
        %dma_start3A_278 = tpu.memref_squeeze %dma_start3A_277 : memref<1x8192xf32, #tpu.memory_space<hbm>> -> memref<8192xf32, #tpu.memory_space<hbm>>
        %dma_start3A_279 = arith.constant 0 : i32
        %dma_start3A_280 = tpu.memref_slice %arg2[%add3A_275, %dma_start3A_279] : memref<1024x8192xf32, #tpu.memory_space<hbm>> -> memref<1x8192xf32, #tpu.memory_space<hbm>>
        %dma_start3A_281 = tpu.memref_squeeze %dma_start3A_280 : memref<1x8192xf32, #tpu.memory_space<hbm>> -> memref<8192xf32, #tpu.memory_space<hbm>>
        tpu.enqueue_dma source(%dma_start3A_281 : memref<8192xf32, #tpu.memory_space<hbm>>) target(%arg7 : memref<8192xf32, #tpu.memory_space<vmem>>) target_semaphore(%arg17 : memref<!tpu.dma_semaphore, #tpu.memory_space<semaphore_mem>>)
      } else {
      }
      %mul3A_178 = arith.constant 4 : i32
      %mul3A_179 = arith.muli %scan3A_88, %mul3A_178 : i32
      %add3A_180 = arith.constant 2 : i32
      %add3A_181 = arith.addi %mul3A_179, %add3A_180 : i32
      %add3A_182 = arith.addi %mul3A_2, %add3A_181 : i32
      %dma_wait3A_183 = arith.constant 0 : i32
      %dma_wait3A_184 = tpu.memref_slice %arg2[%add3A_182, %dma_wait3A_183] : memref<1024x8192xf32, #tpu.memory_space<hbm>> -> memref<1x8192xf32, #tpu.memory_space<hbm>>
      %dma_wait3A_185 = tpu.memref_squeeze %dma_wait3A_184 : memref<1x8192xf32, #tpu.memory_space<hbm>> -> memref<8192xf32, #tpu.memory_space<hbm>>
      %dma_wait3A_186 = arith.constant 0 : i32
      %dma_wait3A_187 = tpu.memref_slice %arg2[%add3A_182, %dma_wait3A_186] : memref<1024x8192xf32, #tpu.memory_space<hbm>> -> memref<1x8192xf32, #tpu.memory_space<hbm>>
      %dma_wait3A_188 = tpu.memref_squeeze %dma_wait3A_187 : memref<1x8192xf32, #tpu.memory_space<hbm>> -> memref<8192xf32, #tpu.memory_space<hbm>>
      tpu.wait_dma2 semaphore(%arg18 : memref<!tpu.dma_semaphore, #tpu.memory_space<semaphore_mem>>) src(%dma_wait3A_188 : memref<8192xf32, #tpu.memory_space<hbm>>) dst(%arg8 : memref<8192xf32, #tpu.memory_space<vmem>>)
      %gt3A_189 = arith.constant 0 : i32
      %gt3A_190 = arith.cmpi sgt, %scan3A_88, %gt3A_189 : i32
      %convert_element_type3A_191 = arith.extui %gt3A_190 : i1 to i32
      %cond3A_192 = arith.constant 0 : i32
      %cond3A_193 = arith.cmpi ne, %convert_element_type3A_191, %cond3A_192 : i32
      scf.if %cond3A_193 {
        %sub3A_274 = arith.constant 4 : i32
        %sub3A_275 = arith.subi %add3A_182, %sub3A_274 : i32
        %dma_wait3A_276 = arith.constant 0 : i32
        %dma_wait3A_277 = tpu.memref_slice %arg5[%sub3A_275, %dma_wait3A_276] : memref<1024x4096xf32, #tpu.memory_space<hbm>> -> memref<1x4096xf32, #tpu.memory_space<hbm>>
        %dma_wait3A_278 = tpu.memref_squeeze %dma_wait3A_277 : memref<1x4096xf32, #tpu.memory_space<hbm>> -> memref<4096xf32, #tpu.memory_space<hbm>>
        %dma_wait3A_279 = arith.constant 0 : i32
        %dma_wait3A_280 = tpu.memref_slice %arg5[%sub3A_275, %dma_wait3A_279] : memref<1024x4096xf32, #tpu.memory_space<hbm>> -> memref<1x4096xf32, #tpu.memory_space<hbm>>
        %dma_wait3A_281 = tpu.memref_squeeze %dma_wait3A_280 : memref<1x4096xf32, #tpu.memory_space<hbm>> -> memref<4096xf32, #tpu.memory_space<hbm>>
        tpu.wait_dma2 semaphore(%arg22 : memref<!tpu.dma_semaphore, #tpu.memory_space<semaphore_mem>>) src(%arg12 : memref<4096xf32, #tpu.memory_space<vmem>>) dst(%dma_wait3A_281 : memref<4096xf32, #tpu.memory_space<hbm>>)
      } else {
      }
      %mul3A_194 = arith.constant 2 : i32
      %mul3A_195 = arith.muli %mul3A_194, %add3A_181 : i32
      %broadcast_in_dim3A_196 = vector.broadcast %mul3A_195 : i32 to vector<16xi32>
      %gather3A_197 = tpu.vector_load_idx %arg15[%broadcast_in_dim3A_196] : memref<128xf32, #tpu.memory_space<vmem>>[vector<16xi32>], vector<16xf32>,
      %mul3A_198 = arith.constant 2 : i32
      %mul3A_199 = arith.muli %mul3A_198, %add3A_181 : i32
      %add3A_200 = arith.constant 1 : i32
      %add3A_201 = arith.addi %mul3A_199, %add3A_200 : i32
      %broadcast_in_dim3A_202 = vector.broadcast %add3A_201 : i32 to vector<16xi32>
      %gather3A_203 = tpu.vector_load_idx %arg15[%broadcast_in_dim3A_202] : memref<128xf32, #tpu.memory_space<vmem>>[vector<16xi32>], vector<16xf32>,
      %mul3A_204 = arith.constant 4.096000e+03 : f32
      %mul3A_205 = vector.broadcast %mul3A_204 : f32 to vector<16xf32>
      %mul3A_206 = arith.mulf %gather3A_197, %mul3A_205 : vector<16xf32>
      %mul3A_207 = arith.constant 4.096000e+03 : f32
      %mul3A_208 = vector.broadcast %mul3A_207 : f32 to vector<16xf32>
      %mul3A_209 = arith.mulf %gather3A_203, %mul3A_208 : vector<16xf32>
      %parallel_loop3A_210 = arith.constant 0 : i32
      %parallel_loop3A_211 = arith.constant 4096 : i32
      %parallel_loop3A_212 = arith.constant 16 : i32
      scf.for %parallel_loop3A_274 = %parallel_loop3A_210 to %parallel_loop3A_211 step %parallel_loop3A_212  : i32 {
        %parallel_loop3A_275 = arith.index_cast %parallel_loop3A_274 : i32 to index
        %parallel_loop3A_276 = tpu.vector_load %arg14[%parallel_loop3A_275] {strides = array<i32>} : memref<4096xf32, #tpu.memory_space<vmem>>, vector<16xf32>,
        %parallel_loop3A_277 = arith.mulf %mul3A_206, %parallel_loop3A_276 : vector<16xf32>
        %parallel_loop3A_278 = arith.addf %parallel_loop3A_277, %mul3A_209 : vector<16xf32>
        %parallel_loop3A_279 = vector.broadcast %scan3A_36 : f32 to vector<16xf32>
        %parallel_loop3A_280 = arith.minimumf %parallel_loop3A_278, %parallel_loop3A_279 : vector<16xf32>
        %parallel_loop3A_281 = arith.fptosi %parallel_loop3A_280 : vector<16xf32> to vector<16xi32>
        %parallel_loop3A_282 = arith.sitofp %parallel_loop3A_281 : vector<16xi32> to vector<16xf32>
        %parallel_loop3A_283 = arith.constant 1.000000e+00 : f32
        %parallel_loop3A_284 = vector.broadcast %parallel_loop3A_283 : f32 to vector<16xf32>
        %parallel_loop3A_285 = arith.addf %parallel_loop3A_282, %parallel_loop3A_284 : vector<16xf32>
        %parallel_loop3A_286 = vector.broadcast %scan3A_36 : f32 to vector<16xf32>
        %parallel_loop3A_287 = arith.minimumf %parallel_loop3A_285, %parallel_loop3A_286 : vector<16xf32>
        %parallel_loop3A_288 = tpu.vector_load_idx %arg8[%parallel_loop3A_281] : memref<8192xf32, #tpu.memory_space<vmem>>[vector<16xi32>], vector<16xf32>,
        %parallel_loop3A_289 = arith.fptosi %parallel_loop3A_287 : vector<16xf32> to vector<16xi32>
        %parallel_loop3A_290 = tpu.vector_load_idx %arg8[%parallel_loop3A_289] : memref<8192xf32, #tpu.memory_space<vmem>>[vector<16xi32>], vector<16xf32>,
        %parallel_loop3A_291 = arith.subf %parallel_loop3A_287, %parallel_loop3A_278 : vector<16xf32>
        %parallel_loop3A_292 = arith.subf %parallel_loop3A_278, %parallel_loop3A_282 : vector<16xf32>
        %parallel_loop3A_293 = arith.mulf %parallel_loop3A_291, %parallel_loop3A_288 : vector<16xf32>
        %parallel_loop3A_294 = arith.mulf %parallel_loop3A_292, %parallel_loop3A_290 : vector<16xf32>
        %parallel_loop3A_295 = arith.addf %parallel_loop3A_293, %parallel_loop3A_294 : vector<16xf32>
        %parallel_loop3A_296 = arith.index_cast %parallel_loop3A_274 : i32 to index
        %parallel_loop3A_297 = tpu.vector_load %arg12[%parallel_loop3A_296] {strides = array<i32>} : memref<4096xf32, #tpu.memory_space<vmem>>, vector<16xf32>,
        tpu.vector_store %arg12[%parallel_loop3A_296], %parallel_loop3A_295 {strides = array<i32>} : memref<4096xf32, #tpu.memory_space<vmem>>, vector<16xf32>,
      } {sc.loop_unroll_factor = 8 : i64, sc.parallel_access}
      %dma_start3A_213 = arith.constant 0 : i32
      %dma_start3A_214 = tpu.memref_slice %arg5[%add3A_182, %dma_start3A_213] : memref<1024x4096xf32, #tpu.memory_space<hbm>> -> memref<1x4096xf32, #tpu.memory_space<hbm>>
      %dma_start3A_215 = tpu.memref_squeeze %dma_start3A_214 : memref<1x4096xf32, #tpu.memory_space<hbm>> -> memref<4096xf32, #tpu.memory_space<hbm>>
      %dma_start3A_216 = arith.constant 0 : i32
      %dma_start3A_217 = tpu.memref_slice %arg5[%add3A_182, %dma_start3A_216] : memref<1024x4096xf32, #tpu.memory_space<hbm>> -> memref<1x4096xf32, #tpu.memory_space<hbm>>
      %dma_start3A_218 = tpu.memref_squeeze %dma_start3A_217 : memref<1x4096xf32, #tpu.memory_space<hbm>> -> memref<4096xf32, #tpu.memory_space<hbm>>
      tpu.enqueue_dma source(%arg12 : memref<4096xf32, #tpu.memory_space<vmem>>) target(%dma_start3A_218 : memref<4096xf32, #tpu.memory_space<hbm>>) target_semaphore(%arg22 : memref<!tpu.dma_semaphore, #tpu.memory_space<semaphore_mem>>)
      %add3A_219 = arith.constant 4 : i32
      %add3A_220 = arith.addi %add3A_181, %add3A_219 : i32
      %lt3A_221 = arith.constant 32 : i32
      %lt3A_222 = arith.cmpi slt, %add3A_220, %lt3A_221 : i32
      %convert_element_type3A_223 = arith.extui %lt3A_222 : i1 to i32
      %cond3A_224 = arith.constant 0 : i32
      %cond3A_225 = arith.cmpi ne, %convert_element_type3A_223, %cond3A_224 : i32
      scf.if %cond3A_225 {
        %add3A_274 = arith.constant 4 : i32
        %add3A_275 = arith.addi %add3A_182, %add3A_274 : i32
        %dma_start3A_276 = arith.constant 0 : i32
        %dma_start3A_277 = tpu.memref_slice %arg2[%add3A_275, %dma_start3A_276] : memref<1024x8192xf32, #tpu.memory_space<hbm>> -> memref<1x8192xf32, #tpu.memory_space<hbm>>
        %dma_start3A_278 = tpu.memref_squeeze %dma_start3A_277 : memref<1x8192xf32, #tpu.memory_space<hbm>> -> memref<8192xf32, #tpu.memory_space<hbm>>
        %dma_start3A_279 = arith.constant 0 : i32
        %dma_start3A_280 = tpu.memref_slice %arg2[%add3A_275, %dma_start3A_279] : memref<1024x8192xf32, #tpu.memory_space<hbm>> -> memref<1x8192xf32, #tpu.memory_space<hbm>>
        %dma_start3A_281 = tpu.memref_squeeze %dma_start3A_280 : memref<1x8192xf32, #tpu.memory_space<hbm>> -> memref<8192xf32, #tpu.memory_space<hbm>>
        tpu.enqueue_dma source(%dma_start3A_281 : memref<8192xf32, #tpu.memory_space<hbm>>) target(%arg8 : memref<8192xf32, #tpu.memory_space<vmem>>) target_semaphore(%arg18 : memref<!tpu.dma_semaphore, #tpu.memory_space<semaphore_mem>>)
      } else {
      }
      %mul3A_226 = arith.constant 4 : i32
      %mul3A_227 = arith.muli %scan3A_88, %mul3A_226 : i32
      %add3A_228 = arith.constant 3 : i32
      %add3A_229 = arith.addi %mul3A_227, %add3A_228 : i32
      %add3A_230 = arith.addi %mul3A_2, %add3A_229 : i32
      %dma_wait3A_231 = arith.constant 0 : i32
      %dma_wait3A_232 = tpu.memref_slice %arg2[%add3A_230, %dma_wait3A_231] : memref<1024x8192xf32, #tpu.memory_space<hbm>> -> memref<1x8192xf32, #tpu.memory_space<hbm>>
      %dma_wait3A_233 = tpu.memref_squeeze %dma_wait3A_232 : memref<1x8192xf32, #tpu.memory_space<hbm>> -> memref<8192xf32, #tpu.memory_space<hbm>>
      %dma_wait3A_234 = arith.constant 0 : i32
      %dma_wait3A_235 = tpu.memref_slice %arg2[%add3A_230, %dma_wait3A_234] : memref<1024x8192xf32, #tpu.memory_space<hbm>> -> memref<1x8192xf32, #tpu.memory_space<hbm>>
      %dma_wait3A_236 = tpu.memref_squeeze %dma_wait3A_235 : memref<1x8192xf32, #tpu.memory_space<hbm>> -> memref<8192xf32, #tpu.memory_space<hbm>>
      tpu.wait_dma2 semaphore(%arg19 : memref<!tpu.dma_semaphore, #tpu.memory_space<semaphore_mem>>) src(%dma_wait3A_236 : memref<8192xf32, #tpu.memory_space<hbm>>) dst(%arg9 : memref<8192xf32, #tpu.memory_space<vmem>>)
      %gt3A_237 = arith.constant 0 : i32
      %gt3A_238 = arith.cmpi sgt, %scan3A_88, %gt3A_237 : i32
      %convert_element_type3A_239 = arith.extui %gt3A_238 : i1 to i32
      %cond3A_240 = arith.constant 0 : i32
      %cond3A_241 = arith.cmpi ne, %convert_element_type3A_239, %cond3A_240 : i32
      scf.if %cond3A_241 {
        %sub3A_274 = arith.constant 4 : i32
        %sub3A_275 = arith.subi %add3A_230, %sub3A_274 : i32
        %dma_wait3A_276 = arith.constant 0 : i32
        %dma_wait3A_277 = tpu.memref_slice %arg5[%sub3A_275, %dma_wait3A_276] : memref<1024x4096xf32, #tpu.memory_space<hbm>> -> memref<1x4096xf32, #tpu.memory_space<hbm>>
        %dma_wait3A_278 = tpu.memref_squeeze %dma_wait3A_277 : memref<1x4096xf32, #tpu.memory_space<hbm>> -> memref<4096xf32, #tpu.memory_space<hbm>>
        %dma_wait3A_279 = arith.constant 0 : i32
        %dma_wait3A_280 = tpu.memref_slice %arg5[%sub3A_275, %dma_wait3A_279] : memref<1024x4096xf32, #tpu.memory_space<hbm>> -> memref<1x4096xf32, #tpu.memory_space<hbm>>
        %dma_wait3A_281 = tpu.memref_squeeze %dma_wait3A_280 : memref<1x4096xf32, #tpu.memory_space<hbm>> -> memref<4096xf32, #tpu.memory_space<hbm>>
        tpu.wait_dma2 semaphore(%arg23 : memref<!tpu.dma_semaphore, #tpu.memory_space<semaphore_mem>>) src(%arg13 : memref<4096xf32, #tpu.memory_space<vmem>>) dst(%dma_wait3A_281 : memref<4096xf32, #tpu.memory_space<hbm>>)
      } else {
      }
      %mul3A_242 = arith.constant 2 : i32
      %mul3A_243 = arith.muli %mul3A_242, %add3A_229 : i32
      %broadcast_in_dim3A_244 = vector.broadcast %mul3A_243 : i32 to vector<16xi32>
      %gather3A_245 = tpu.vector_load_idx %arg15[%broadcast_in_dim3A_244] : memref<128xf32, #tpu.memory_space<vmem>>[vector<16xi32>], vector<16xf32>,
      %mul3A_246 = arith.constant 2 : i32
      %mul3A_247 = arith.muli %mul3A_246, %add3A_229 : i32
      %add3A_248 = arith.constant 1 : i32
      %add3A_249 = arith.addi %mul3A_247, %add3A_248 : i32
      %broadcast_in_dim3A_250 = vector.broadcast %add3A_249 : i32 to vector<16xi32>
      %gather3A_251 = tpu.vector_load_idx %arg15[%broadcast_in_dim3A_250] : memref<128xf32, #tpu.memory_space<vmem>>[vector<16xi32>], vector<16xf32>,
      %mul3A_252 = arith.constant 4.096000e+03 : f32
      %mul3A_253 = vector.broadcast %mul3A_252 : f32 to vector<16xf32>
      %mul3A_254 = arith.mulf %gather3A_245, %mul3A_253 : vector<16xf32>
      %mul3A_255 = arith.constant 4.096000e+03 : f32
      %mul3A_256 = vector.broadcast %mul3A_255 : f32 to vector<16xf32>
      %mul3A_257 = arith.mulf %gather3A_251, %mul3A_256 : vector<16xf32>
      %parallel_loop3A_258 = arith.constant 0 : i32
      %parallel_loop3A_259 = arith.constant 4096 : i32
      %parallel_loop3A_260 = arith.constant 16 : i32
      scf.for %parallel_loop3A_274 = %parallel_loop3A_258 to %parallel_loop3A_259 step %parallel_loop3A_260  : i32 {
        %parallel_loop3A_275 = arith.index_cast %parallel_loop3A_274 : i32 to index
        %parallel_loop3A_276 = tpu.vector_load %arg14[%parallel_loop3A_275] {strides = array<i32>} : memref<4096xf32, #tpu.memory_space<vmem>>, vector<16xf32>,
        %parallel_loop3A_277 = arith.mulf %mul3A_254, %parallel_loop3A_276 : vector<16xf32>
        %parallel_loop3A_278 = arith.addf %parallel_loop3A_277, %mul3A_257 : vector<16xf32>
        %parallel_loop3A_279 = vector.broadcast %scan3A_36 : f32 to vector<16xf32>
        %parallel_loop3A_280 = arith.minimumf %parallel_loop3A_278, %parallel_loop3A_279 : vector<16xf32>
        %parallel_loop3A_281 = arith.fptosi %parallel_loop3A_280 : vector<16xf32> to vector<16xi32>
        %parallel_loop3A_282 = arith.sitofp %parallel_loop3A_281 : vector<16xi32> to vector<16xf32>
        %parallel_loop3A_283 = arith.constant 1.000000e+00 : f32
        %parallel_loop3A_284 = vector.broadcast %parallel_loop3A_283 : f32 to vector<16xf32>
        %parallel_loop3A_285 = arith.addf %parallel_loop3A_282, %parallel_loop3A_284 : vector<16xf32>
        %parallel_loop3A_286 = vector.broadcast %scan3A_36 : f32 to vector<16xf32>
        %parallel_loop3A_287 = arith.minimumf %parallel_loop3A_285, %parallel_loop3A_286 : vector<16xf32>
        %parallel_loop3A_288 = tpu.vector_load_idx %arg9[%parallel_loop3A_281] : memref<8192xf32, #tpu.memory_space<vmem>>[vector<16xi32>], vector<16xf32>,
        %parallel_loop3A_289 = arith.fptosi %parallel_loop3A_287 : vector<16xf32> to vector<16xi32>
        %parallel_loop3A_290 = tpu.vector_load_idx %arg9[%parallel_loop3A_289] : memref<8192xf32, #tpu.memory_space<vmem>>[vector<16xi32>], vector<16xf32>,
        %parallel_loop3A_291 = arith.subf %parallel_loop3A_287, %parallel_loop3A_278 : vector<16xf32>
        %parallel_loop3A_292 = arith.subf %parallel_loop3A_278, %parallel_loop3A_282 : vector<16xf32>
        %parallel_loop3A_293 = arith.mulf %parallel_loop3A_291, %parallel_loop3A_288 : vector<16xf32>
        %parallel_loop3A_294 = arith.mulf %parallel_loop3A_292, %parallel_loop3A_290 : vector<16xf32>
        %parallel_loop3A_295 = arith.addf %parallel_loop3A_293, %parallel_loop3A_294 : vector<16xf32>
        %parallel_loop3A_296 = arith.index_cast %parallel_loop3A_274 : i32 to index
        %parallel_loop3A_297 = tpu.vector_load %arg13[%parallel_loop3A_296] {strides = array<i32>} : memref<4096xf32, #tpu.memory_space<vmem>>, vector<16xf32>,
        tpu.vector_store %arg13[%parallel_loop3A_296], %parallel_loop3A_295 {strides = array<i32>} : memref<4096xf32, #tpu.memory_space<vmem>>, vector<16xf32>,
      } {sc.loop_unroll_factor = 8 : i64, sc.parallel_access}
      %dma_start3A_261 = arith.constant 0 : i32
      %dma_start3A_262 = tpu.memref_slice %arg5[%add3A_230, %dma_start3A_261] : memref<1024x4096xf32, #tpu.memory_space<hbm>> -> memref<1x4096xf32, #tpu.memory_space<hbm>>
      %dma_start3A_263 = tpu.memref_squeeze %dma_start3A_262 : memref<1x4096xf32, #tpu.memory_space<hbm>> -> memref<4096xf32, #tpu.memory_space<hbm>>
      %dma_start3A_264 = arith.constant 0 : i32
      %dma_start3A_265 = tpu.memref_slice %arg5[%add3A_230, %dma_start3A_264] : memref<1024x4096xf32, #tpu.memory_space<hbm>> -> memref<1x4096xf32, #tpu.memory_space<hbm>>
      %dma_start3A_266 = tpu.memref_squeeze %dma_start3A_265 : memref<1x4096xf32, #tpu.memory_space<hbm>> -> memref<4096xf32, #tpu.memory_space<hbm>>
      tpu.enqueue_dma source(%arg13 : memref<4096xf32, #tpu.memory_space<vmem>>) target(%dma_start3A_266 : memref<4096xf32, #tpu.memory_space<hbm>>) target_semaphore(%arg23 : memref<!tpu.dma_semaphore, #tpu.memory_space<semaphore_mem>>)
      %add3A_267 = arith.constant 4 : i32
      %add3A_268 = arith.addi %add3A_229, %add3A_267 : i32
      %lt3A_269 = arith.constant 32 : i32
      %lt3A_270 = arith.cmpi slt, %add3A_268, %lt3A_269 : i32
      %convert_element_type3A_271 = arith.extui %lt3A_270 : i1 to i32
      %cond3A_272 = arith.constant 0 : i32
      %cond3A_273 = arith.cmpi ne, %convert_element_type3A_271, %cond3A_272 : i32
      scf.if %cond3A_273 {
        %add3A_274 = arith.constant 4 : i32
        %add3A_275 = arith.addi %add3A_230, %add3A_274 : i32
        %dma_start3A_276 = arith.constant 0 : i32
        %dma_start3A_277 = tpu.memref_slice %arg2[%add3A_275, %dma_start3A_276] : memref<1024x8192xf32, #tpu.memory_space<hbm>> -> memref<1x8192xf32, #tpu.memory_space<hbm>>
        %dma_start3A_278 = tpu.memref_squeeze %dma_start3A_277 : memref<1x8192xf32, #tpu.memory_space<hbm>> -> memref<8192xf32, #tpu.memory_space<hbm>>
        %dma_start3A_279 = arith.constant 0 : i32
        %dma_start3A_280 = tpu.memref_slice %arg2[%add3A_275, %dma_start3A_279] : memref<1024x8192xf32, #tpu.memory_space<hbm>> -> memref<1x8192xf32, #tpu.memory_space<hbm>>
        %dma_start3A_281 = tpu.memref_squeeze %dma_start3A_280 : memref<1x8192xf32, #tpu.memory_space<hbm>> -> memref<8192xf32, #tpu.memory_space<hbm>>
        tpu.enqueue_dma source(%dma_start3A_281 : memref<8192xf32, #tpu.memory_space<hbm>>) target(%arg9 : memref<8192xf32, #tpu.memory_space<vmem>>) target_semaphore(%arg19 : memref<!tpu.dma_semaphore, #tpu.memory_space<semaphore_mem>>)
      } else {
      }
    }
    %scan3A_41 = arith.constant 8 : i32
    %add3A_42 = arith.constant 32 : i32
    %add3A_43 = arith.addi %mul3A_2, %add3A_42 : i32
    %sub3A = arith.constant 4 : i32
    %sub3A_44 = arith.subi %add3A_43, %sub3A : i32
    %add3A_45 = arith.constant 0 : i32
    %add3A_46 = arith.addi %sub3A_44, %add3A_45 : i32
    %dma_wait3A = arith.constant 0 : i32
    %dma_wait3A_47 = tpu.memref_slice %arg5[%add3A_46, %dma_wait3A] : memref<1024x4096xf32, #tpu.memory_space<hbm>> -> memref<1x4096xf32, #tpu.memory_space<hbm>>
    %dma_wait3A_48 = tpu.memref_squeeze %dma_wait3A_47 : memref<1x4096xf32, #tpu.memory_space<hbm>> -> memref<4096xf32, #tpu.memory_space<hbm>>
    %dma_wait3A_49 = arith.constant 0 : i32
    %dma_wait3A_50 = tpu.memref_slice %arg5[%add3A_46, %dma_wait3A_49] : memref<1024x4096xf32, #tpu.memory_space<hbm>> -> memref<1x4096xf32, #tpu.memory_space<hbm>>
    %dma_wait3A_51 = tpu.memref_squeeze %dma_wait3A_50 : memref<1x4096xf32, #tpu.memory_space<hbm>> -> memref<4096xf32, #tpu.memory_space<hbm>>
    tpu.wait_dma2 semaphore(%arg20 : memref<!tpu.dma_semaphore, #tpu.memory_space<semaphore_mem>>) src(%arg10 : memref<4096xf32, #tpu.memory_space<vmem>>) dst(%dma_wait3A_51 : memref<4096xf32, #tpu.memory_space<hbm>>)
    %add3A_52 = arith.constant 32 : i32
    %add3A_53 = arith.addi %mul3A_2, %add3A_52 : i32
    %sub3A_54 = arith.constant 4 : i32
    %sub3A_55 = arith.subi %add3A_53, %sub3A_54 : i32
    %add3A_56 = arith.constant 1 : i32
    %add3A_57 = arith.addi %sub3A_55, %add3A_56 : i32
    %dma_wait3A_58 = arith.constant 0 : i32
    %dma_wait3A_59 = tpu.memref_slice %arg5[%add3A_57, %dma_wait3A_58] : memref<1024x4096xf32, #tpu.memory_space<hbm>> -> memref<1x4096xf32, #tpu.memory_space<hbm>>
    %dma_wait3A_60 = tpu.memref_squeeze %dma_wait3A_59 : memref<1x4096xf32, #tpu.memory_space<hbm>> -> memref<4096xf32, #tpu.memory_space<hbm>>
    %dma_wait3A_61 = arith.constant 0 : i32
    %dma_wait3A_62 = tpu.memref_slice %arg5[%add3A_57, %dma_wait3A_61] : memref<1024x4096xf32, #tpu.memory_space<hbm>> -> memref<1x4096xf32, #tpu.memory_space<hbm>>
    %dma_wait3A_63 = tpu.memref_squeeze %dma_wait3A_62 : memref<1x4096xf32, #tpu.memory_space<hbm>> -> memref<4096xf32, #tpu.memory_space<hbm>>
    tpu.wait_dma2 semaphore(%arg21 : memref<!tpu.dma_semaphore, #tpu.memory_space<semaphore_mem>>) src(%arg11 : memref<4096xf32, #tpu.memory_space<vmem>>) dst(%dma_wait3A_63 : memref<4096xf32, #tpu.memory_space<hbm>>)
    %add3A_64 = arith.constant 32 : i32
    %add3A_65 = arith.addi %mul3A_2, %add3A_64 : i32
    %sub3A_66 = arith.constant 4 : i32
    %sub3A_67 = arith.subi %add3A_65, %sub3A_66 : i32
    %add3A_68 = arith.constant 2 : i32
    %add3A_69 = arith.addi %sub3A_67, %add3A_68 : i32
    %dma_wait3A_70 = arith.constant 0 : i32
    %dma_wait3A_71 = tpu.memref_slice %arg5[%add3A_69, %dma_wait3A_70] : memref<1024x4096xf32, #tpu.memory_space<hbm>> -> memref<1x4096xf32, #tpu.memory_space<hbm>>
    %dma_wait3A_72 = tpu.memref_squeeze %dma_wait3A_71 : memref<1x4096xf32, #tpu.memory_space<hbm>> -> memref<4096xf32, #tpu.memory_space<hbm>>
    %dma_wait3A_73 = arith.constant 0 : i32
    %dma_wait3A_74 = tpu.memref_slice %arg5[%add3A_69, %dma_wait3A_73] : memref<1024x4096xf32, #tpu.memory_space<hbm>> -> memref<1x4096xf32, #tpu.memory_space<hbm>>
    %dma_wait3A_75 = tpu.memref_squeeze %dma_wait3A_74 : memref<1x4096xf32, #tpu.memory_space<hbm>> -> memref<4096xf32, #tpu.memory_space<hbm>>
    tpu.wait_dma2 semaphore(%arg22 : memref<!tpu.dma_semaphore, #tpu.memory_space<semaphore_mem>>) src(%arg12 : memref<4096xf32, #tpu.memory_space<vmem>>) dst(%dma_wait3A_75 : memref<4096xf32, #tpu.memory_space<hbm>>)
    %add3A_76 = arith.constant 32 : i32
    %add3A_77 = arith.addi %mul3A_2, %add3A_76 : i32
    %sub3A_78 = arith.constant 4 : i32
    %sub3A_79 = arith.subi %add3A_77, %sub3A_78 : i32
    %add3A_80 = arith.constant 3 : i32
    %add3A_81 = arith.addi %sub3A_79, %add3A_80 : i32
    %dma_wait3A_82 = arith.constant 0 : i32
    %dma_wait3A_83 = tpu.memref_slice %arg5[%add3A_81, %dma_wait3A_82] : memref<1024x4096xf32, #tpu.memory_space<hbm>> -> memref<1x4096xf32, #tpu.memory_space<hbm>>
    %dma_wait3A_84 = tpu.memref_squeeze %dma_wait3A_83 : memref<1x4096xf32, #tpu.memory_space<hbm>> -> memref<4096xf32, #tpu.memory_space<hbm>>
    %dma_wait3A_85 = arith.constant 0 : i32
    %dma_wait3A_86 = tpu.memref_slice %arg5[%add3A_81, %dma_wait3A_85] : memref<1024x4096xf32, #tpu.memory_space<hbm>> -> memref<1x4096xf32, #tpu.memory_space<hbm>>
    %dma_wait3A_87 = tpu.memref_squeeze %dma_wait3A_86 : memref<1x4096xf32, #tpu.memory_space<hbm>> -> memref<4096xf32, #tpu.memory_space<hbm>>
    tpu.wait_dma2 semaphore(%arg23 : memref<!tpu.dma_semaphore, #tpu.memory_space<semaphore_mem>>) src(%arg13 : memref<4096xf32, #tpu.memory_space<vmem>>) dst(%dma_wait3A_87 : memref<4096xf32, #tpu.memory_space<hbm>>)
    return
  }
}

</mosaic_0001>

<sc_bundles>
// kernel: kernel.3.cloned.1.call-start
scs
__scs_entry_jumppad:
0x0: {  	(pc) =	sbr.rel $0x88, $3  }
0x1: {  	(tag) =	ssettag $0x0;
	lr =	simm.s32 $0x1  }
0x2: {  	[smem:$0x3F9F] =	sst lr;
	_ =	strace $0xD0000000  }
0x3: {  	_ = 	snop  }
0x4: {  	_ = 	snop  }
0x5: {  	_ = 	snop  }
0x6: {  	_ = 	snop  }
0x7: {  	_ = 	snop  }
__scs_overlays_trampoline_lowered:
0x8: {  	[smem:$0x3FAE] =	sst s0  }
0x9: {  	[smem:$0x3FAF] =	sst s1  }
0xa: {  	[smem:$0x3FB0] =	sst s2  }
0xb: {  	[smem:$0x3FB1] =	sst s3  }
0xc: {  	[smem:$0x3FB2] =	sst s4  }
0xd: {  	[smem:$0x3FB3] =	sst s5  }
0xe: {  	[smem:$0x3FB4] =	sst s6  }
0xf: {  	[smem:$0x3FB5] =	sst s7  }
0x10: {  	[smem:$0x3FB6] =	sst s8  }
0x11: {  	[smem:$0x3FB7] =	sst s9;
	s0 =	simm.s32 @!p0 $0x0  }
0x12: {  	s1 =	sld [smem:$0x3F9D];
	s0 =	simm.s32 @p0 $0x1  }
0x13: {  	[smem:$0x3FB8] =	sst s0;
	s0 =	simm.s32 @!p1 $0x0  }
0x14: {  	s2 =	sld [smem:$0x3F9C];
	s0 =	simm.s32 @p1 $0x1  }
0x15: {  	[smem:$0x3FB9] =	sst s0;
	s0 =	simm.s32 @!p2 $0x0  }
0x16: {  	s3 =	sld [smem:$0x3FDB];
	s0 =	simm.s32 @p2 $0x1  }
0x17: {  	s4 =	simm.s32 $0x1BF5;
	[smem:$0x3FBB] =	sst s0  }
0x18: {  	s0 =	sld [smem:$0x3F9E];
	_ =	swait.ge [sflag:s4], $0x0  }
0x19: {  	s7 =	sld [smem:$0x3F9F]  }
0x1a: {  	s8 =	sadd.s32 $0xFFFFE003, lr  }
0x1b: {  	s9 =	sadd.s32 $0xFFFFFEF7, lr;
	s5 =	simm.s32 $0xFFFFFFFF;
	p2 =	slt.u32 s8, $0xFFFFF086  }
0x1c: {  	p1 =	slt.u32 s9, $0xF7A;
	s5 =	simm.s32 @!p2 $0x0  }
0x1d: {  	s5 =	simm.s32 @p1 $0x1;
	p0 =	seq.s32 s7, s2  }
0x1e: {  	s7 =	smul.u32 @!p0 $0xF7A, s2;
	p2 =	seq.s32 @!p0 s5, $0x0  }
0x1f: {  	s9 =	smul.u32 $0xF7A, s1;
	s8 =	simm.s32 @!p0 $0x1BF5;
	p2 =	por !p2, p0  }
0x20: {  	[sflag:s8] =	ssyncset.s32 @!p0 $0xFFFFF086;
	s6 =	sadd.s32 @!p0 s3, s7;
	s7 =	simm.s32 @!p0 $0x108  }
0x21: {  	s3 =	sadd.s32 s3, s9;
	s6 =	sadd.s32 @!p0 $0x88, s6;
	s7 =	simm.s32 @p2 $0x1082  }
0x22: {  	[simem:s7], [sflag:s8] =	dma.local @!p0 [hbm:s6], $0xF7A  }
0x23: {  	s9 =	sor.u32 $0xD0000000, s2;
	s6 =	simm.s32 $0x108;
	_ =	swait.ge @!p0 [sflag:s8], $0x0  }
0x24: {  	s3 =	sadd.s32 $0x88, s3;
	s6 =	simm.s32 @!p1 $0x1082;
	[sflag:s4] =	ssyncset.s32 $0xFFFFF086  }
0x25: {  	[simem:s6], [sflag:s4] =	dma.local [hbm:s3], $0xF7A  }
0x26: {  	[smem:$0x3F9F] =	sst s1;
	(tag) =	ssettag s2;
	_ =	strace s9  }
0x27: {  	s1 =	sld [smem:$0x3FAF]  }
0x28: {  	s2 =	sld [smem:$0x3FB0]  }
0x29: {  	s4 =	sld [smem:$0x3FB2]  }
0x2a: {  	p0 =	seq.s32 s5, $0x0;
	s5 =	sld [smem:$0x3FB3]  }
0x2b: {  	s6 =	sld [smem:$0x3FB4]  }
0x2c: {  	s7 =	sld [smem:$0x3FB5]  }
0x2d: {  	s3 =	simm.s32 $0x108;
	s8 =	sld [smem:$0x3FB6]  }
0x2e: {  	s3 =	simm.s32 @!p0 $0x1082;
	s9 =	sld [smem:$0x3FB7]  }
0x2f: {  	lr =	sadd.s32 s0, s3;
	s0 =	sld [smem:$0x3FAE]  }
0x30: {  	s3 =	sld [smem:$0x3FB1]  }
0x31: {  	[smem:$0x3FBA] =	sst s10  }
0x32: {  	s10 =	sld [smem:$0x3FB8];
	_ =	sdelay $0x3  }
0x33: {  	p0 =	seq.s32 s10, $0x1;
	s10 =	sld [smem:$0x3FBA];
	_ =	sdelay $0x3  }
0x34: {  	[smem:$0x3FBA] =	sst s10  }
0x35: {  	s10 =	sld [smem:$0x3FB9];
	_ =	sdelay $0x3  }
0x36: {  	p1 =	seq.s32 s10, $0x1;
	s10 =	sld [smem:$0x3FBA];
	_ =	sdelay $0x3  }
0x37: {  	[smem:$0x3FBA] =	sst s10  }
0x38: {  	s10 =	sld [smem:$0x3FBB]  }
0x39: {  	_ = 	snop;
	(pc) =	sbr.ind lr, $3  }
0x3a: {  	_ = 	snop  }
0x3b: {  	_ = 	snop  }
0x3c: {  	p2 =	seq.s32 s10, $0x1;
	s10 =	sld [smem:$0x3FBA]  }
0x3d: {  	_ =	shalt  }
0x3e: {  	_ =	shalt  }
0x3f: {  	_ =	shalt  }
0x40: {  	_ =	shalt  }
0x41: {  	_ =	shalt  }
0x42: {  	_ =	shalt  }
0x43: {  	_ =	shalt  }
0x44: {  	_ =	shalt  }
0x45: {  	_ =	shalt  }
0x46: {  	_ =	shalt  }
0x47: {  	_ =	shalt  }
0x48: {  	_ =	shalt  }
0x49: {  	_ =	shalt  }
0x4a: {  	_ =	shalt  }
0x4b: {  	_ =	shalt  }
0x4c: {  	_ =	shalt  }
0x4d: {  	_ =	shalt  }
0x4e: {  	_ =	shalt  }
0x4f: {  	_ =	shalt  }
0x50: {  	_ =	shalt  }
0x51: {  	_ =	shalt  }
0x52: {  	_ =	shalt  }
0x53: {  	_ =	shalt  }
0x54: {  	_ =	shalt  }
0x55: {  	_ =	shalt  }
0x56: {  	_ =	shalt  }
0x57: {  	_ =	shalt  }
0x58: {  	_ =	shalt  }
0x59: {  	_ =	shalt  }
0x5a: {  	_ =	shalt  }
0x5b: {  	_ =	shalt  }
0x5c: {  	_ =	shalt  }
0x5d: {  	_ =	shalt  }
0x5e: {  	_ =	shalt  }
0x5f: {  	_ =	shalt  }
0x60: {  	_ =	shalt  }
0x61: {  	_ =	shalt  }
0x62: {  	_ =	shalt  }
0x63: {  	_ =	shalt  }
0x64: {  	_ =	shalt  }
0x65: {  	_ =	shalt  }
0x66: {  	_ =	shalt  }
0x67: {  	_ =	shalt  }
0x68: {  	_ =	shalt  }
0x69: {  	_ =	shalt  }
0x6a: {  	_ =	shalt  }
0x6b: {  	_ =	shalt  }
0x6c: {  	_ =	shalt  }
0x6d: {  	_ =	shalt  }
0x6e: {  	_ =	shalt  }
0x6f: {  	_ =	shalt  }
0x70: {  	_ =	shalt  }
0x71: {  	_ =	shalt  }
0x72: {  	_ =	shalt  }
0x73: {  	_ =	shalt  }
0x74: {  	_ =	shalt  }
0x75: {  	_ =	shalt  }
0x76: {  	_ =	shalt  }
0x77: {  	_ =	shalt  }
0x78: {  	_ =	shalt  }
0x79: {  	_ =	shalt  }
0x7a: {  	_ =	shalt  }
0x7b: {  	_ =	shalt  }
0x7c: {  	_ =	shalt  }
0x7d: {  	_ =	shalt  }
0x7e: {  	_ =	shalt  }
0x7f: {  	_ =	shalt  }
0x80: {  	_ =	shalt  }
0x81: {  	_ =	shalt  }
0x82: {  	_ =	shalt  }
0x83: {  	_ =	shalt  }
0x84: {  	_ =	shalt  }
0x85: {  	_ =	shalt  }
0x86: {  	_ =	shalt  }
0x87: {  	_ =	shalt  }
.Lfunc_end0:
.L_simem_size_0:
called_computation_lowered:
.L_overlay_start_0:
0x88: {  	s2 =	sld [smem:$0x3FD9]  }
0x89: {  	s3 =	sld [smem:$0x3FFE];
	_ =	sdelay $0x1  }
0x8a: {  	s1 =	srdreg.scid  }
0x8b: {  	s0 =	sand.u32 $0x1, s1  }
0x8c: {  	s17 =	sshll.u32 s0, $0xA;
	s2 =	sadd.s32 s3, s2  }
0x8d: {  	s2 =	sadd.s32 s2, s17  }
0x8e: {  	[smem:$0x3FC6] =	sst s2  }
0x8f: {  	_ = 	snop  }
0x90: {  	s2 =	sld [smem:$0x3FC8]  }
0x91: {  	s18 =	sld [smem:$0x3FD0];
	(tm) =	ssettm $0x1  }
0x92: {  	s4 =	sld [smem:$0x3FFB];
	_ =	sdelay $0x3  }
0x93: {  	_ =	strace s4  }
0x94: {  	s4 =	sld [smem:$0x3FFC];
	_ =	sdelay $0x3  }
0x95: {  	_ =	strace s4  }
0x96: {  	s4 =	sld [smem:$0x3FFD];
	_ =	sdelay $0x3  }
0x97: {  	_ =	strace s4  }
0x98: {  	_ =	strace $0x8FFFFFFF  }
0x99: {  	s19 =	sld [smem:$0x3FDB];
	_ =	sdelay $0x1  }
0x9a: {  	s5 =	simm.s32 $_scs_section_size  }
0x9b: {  	s6 =	simm.s32 $_size__tile_overlayer_lowered;
	s7 =	simm.s32 $_tile_overlayer_lowered  }
0x9c: {  	s22 =	simm.s32 $0x1BFF;
	s21 =	sshll.u32 s7, $0x1;
	s4 =	sadd.s32 s5, s19  }
0x9d: {  	s8 =	simm.s32 $0x0;
	s20 =	sshll.u32 s6, $0x1;
	s6 =	sadd.s32 s21, s4  }
0x9e: {  	[timem:s8], [sflag:s22] =	dma.local [hbm:s6], s20  }
0x9f: {  	_ =	swait.ge [sflag:s22], s20  }
0xa0: {  	s5 =	ssub.s32 $0x0, s20;
	[sflag:s22] =	ssyncset.done $0x0  }
0xa1: {  	[sflag:s22] =	ssyncadd.s32 s5;
	_ =	sdelay $0x1  }
0xa2: {  	s23 =	simm.s32 $0x1B8B  }
0xa3: {  	_ =	swait.ge [sflag:s23], $0x1  }
0xa4: {  	[sflag:s23] =	ssyncset.done $0x0  }
0xa5: {  	s25 =	simm.s32 $0x1B8E;
	s24 =	sld [smem:$0x3FFE];
	[sflag:s23] =	ssyncadd.s32 $0xFFFFFFFF  }
0xa6: {  	s26 =	simm.s32 $execute0_lowered;
	[smem:$0x3FD2] =	sst s25  }
0xa7: {  	s6 =	sshll.u32 s26, $0x1;
	_ =	strace $0x80000046;
	[dreg:$0x1] =	wrdreg $0xFFFFFFFF  }
0xa8: {  	s28 =	simm.s32 $_size_execute0_lowered;
	s4 =	sadd.s32 s4, s6;
	[dreg:$0x0] =	wrdreg $0x0  }
0xa9: {  	s6 =	sshll.u32 s28, $0x1;
	[dreg:$0x2] =	wrdreg s4  }
0xaa: {  	[dreg:$0x3] =	wrdreg s6  }
0xab: {  	[dreg:$0x4] =	wrdreg $0xC0  }
0xac: {  	_ =	task [dreg:s8], $0x5FFFF  }
0xad: {  	[dreg:$0x1] =	wrdreg $0xFFFFFFFF  }
0xae: {  	[dreg:$0x0] =	wrdreg $0x60  }
0xaf: {  	[dreg:$0x2] =	wrdreg s2  }
0xb0: {  	[dreg:$0x3] =	wrdreg s24  }
0xb1: {  	[dreg:$0x4] =	wrdreg s18  }
0xb2: {  	[dreg:$0x5] =	wrdreg $0x9  }
0xb3: {  	_ =	task.clear_ibuf [dreg:s8], $0x6FFFF;
	_ =	strace $0x90000046  }
0xb4: {  	s29 =	simm.s32 $0x9;
	_ =	strace $0x80000048  }
0xb5: {  	_ =	swait.ge [sflag:s29], $0x1  }
0xb6: {  	[sflag:s29] =	ssyncadd.s32 $0xFFFFFFFF  }
0xb7: {  	_ =	strace $0x90000048  }
0xb8: {  	_ =	sfence  }
0xb9: {  	s30 =	sld [smem:$0x0];
	_ =	sdelay $0x2  }
0xba: {  	s31 =	sshll.u32 s1, $0xD;
	s1 =	sshrl.u32 s1, $0x2  }
0xbb: {  	s3 =	sand.u32 $0x4000, s31;
	s1 =	sadd.s32 s1, s30  }
0xbc: {  	s0 =	sor.u32 s3, s0;
	s1 =	sshll.u32 s1, $0x11  }
0xbd: {  	s0 =	sor.u32 s1, s0  }
0xbe: {  	s0 =	sadd.s32 $0x8F2B, s0  }
0xbf: {  	[sflag:s0] =	ssyncadd.remote.s32 $0x1  }
0xc0: {  	_ =	sfence.sel $0xFFFF  }
0xc1: {  	[dreg:$0x0] =	wrdreg $0xFFFFFFFF;
	(pc) =	sbr.abs _section_cstart, $3  }
0xc2: {  	[dreg:$0x1] =	wrdreg $0xFFFFFFFF  }
0xc3: {  	_ =	task.clear_ibuf [dreg:s8], $0x2FFFF;
	_ =	strace $0x9FFFFFFF  }
0xc4: {  	(tm) =	ssettm $0x7FFFFFFF  }
0xc5: {  	_ =	shalt  }
tec
execute0_lowered:
.L_overlay_start_1:
0x0: {  	(tag) =	ssettag $0x1  }
0x1: {  	s1 =	rddreg [dreg:$0x0]  }
0x2: {  	s0 =	rddreg [dreg:$0x1]  }
0x3: {  	s3 =	rddreg [dreg:$0x2];
	s2 =	srdreg.scid  }
0x4: {  	s5 =	stileid.u32;
	s4 =	simm.s32 $0x0;
	s14 =	simm.s32 $0x9  }
0x5: {  	s15 =	simm.s32 $0xD000;
	s16 =	simm.s32 $0x80;
	s17 =	simm.s32 $0x400  }
0x6: {  	s18 =	simm.s32 $0x2000;
	s19 =	simm.s32 $0x4000;
	s20 =	simm.s32 $0x6000  }
0x7: {  	s21 =	simm.s32 $0x1;
	s22 =	simm.s32 $0x8000;
	s28 =	simm.s32 $0x4  }
0x8: {  	s29 =	simm.s32 $0xB000;
	s2 =	sand.u32 $0x1, s2;
	s5 =	sshll.u32 s5, $0x1  }
0x9: {  	s31 =	simm.s32 $0x6;
	[smem:$0x7FF] =	sst s4;
	s5 =	sor.u32 s2, s5  }
0xa: {  	s13 =	simm.s32 $0x0;
	_ =	strace $0x80000047;
	s6 =	sshll.u32 s5, $0x3  }
0xb: {  	s8 =	sshll.u32 s5, $0xF;
	s6 =	sadd.s32 s6, s0;
	s0 =	sadd.s32 $0x600, s0  }
0xc: {  	s2 =	ssub.s32 $0x2, s2;
	s24 =	sadd.s32 s1, s8;
	[dreg:$0x4] =	wrdreg s0  }
0xd: {  	s7 =	sshrl.u32 s2, $0x1;
	s25 =	sadd.s32 $0x400, s6;
	[dreg:$0x5] =	wrdreg s24  }
0xe: {  	s23 =	ssub.s32 s2, s7;
	s26 =	sadd.s32 $0x10, s24;
	[dreg:$0x6] =	wrdreg s25  }
.Ltmp0:
0xf: {  	s30 =	sadd.s32 $0x20, s24;
	[dreg:$0x7] =	wrdreg s26;
	(pc) =	sbr.rel .LBB2_1-.Ltmp0, $4  }
0x10: {  	s7 =	sshll.u32 s5, $0x5;
	s2 =	sadd.s32 $0x30, s24;
	[dreg:$0x8] =	wrdreg s30  }
0x11: {  	s0 =	smax.u32 s23, $0x1;
	s23 =	simm.s32 $0x2;
	[dreg:$0x9] =	wrdreg s2  }
0x12: {  	s24 =	simm.s32 $0x9000;
	[dreg:$0xa] =	wrdreg s0;
	s25 =	simm.s32 $0x3  }
0x13: {  	s26 =	simm.s32 $0xA000;
	s0 =	simm.s32 $0x7;
	s2 =	simm.s32 $0x8  }
.LBB2_12:
0x14: {  	s5 =	simm.s32 $0x5  }
0x15: {  	_ =	swait.ge [sflag:s5], $0x1000  }
0x16: {  	[sflag:s5] =	ssyncset.done $0x0  }
0x17: {  	[sflag:s5] =	ssyncadd.s32 $0xFFFFF000  }
0x18: {  	_ =	swait.ge [sflag:s31], $0x1000  }
0x19: {  	[sflag:s31] =	ssyncset.done $0x0  }
0x1a: {  	[sflag:s31] =	ssyncadd.s32 $0xFFFFF000  }
0x1b: {  	_ =	swait.ge [sflag:s0], $0x1000  }
0x1c: {  	[sflag:s0] =	ssyncset.done $0x0  }
0x1d: {  	[sflag:s0] =	ssyncadd.s32 $0xFFFFF000  }
0x1e: {  	_ =	swait.ge [sflag:s2], $0x1000  }
0x1f: {  	s13 =	sadd.s32 $0x1, s13;
	s30 =	rddreg [dreg:$0xa]  }
0x20: {  	p0 =	sne.s32 s13, s30  }
.Ltmp1:
0x21: {  	_ = 	snop;
	(pc) =	sbr.rel @!p0 .LBB2_13-.Ltmp1, $3  }
0x22: {  	_ =	sdelay $0x1  }
0x23: {  	[sflag:s2] =	ssyncset.done $0x0  }
0x24: {  	[sflag:s2] =	ssyncadd.s32 $0xFFFFF000  }
.LBB2_1:
0x25: {  	s5 =	rddreg [dreg:$0x4];
	s6 =	simm.s32 $0xC000  }
0x26: {  	[tilespmem:s6], [sflag:$0x9] =	stream.linear.gather [hbm4b:s5+s4], $0x1000, $0x38;
	[tilespmem:$0xD080] =	vst v63  }
0x27: {  	_ =	swait.ge [sflag:s14], $0x1000  }
0x28: {  	[sflag:s14] =	ssyncset.done $0x0  }
0x29: {  	s9 =	rddreg [dreg:$0x6];
	[sflag:s14] =	ssyncadd.s32 $0xFFFFF000  }
0x2a: {  	[tilespmem:s15], [sflag:$0x9] =	stream.linear.gather [hbm4b:s9+s4], $0x40, $0x38;
	[tilespmem:$0xD080] =	vst v63  }
0x2b: {  	_ =	swait.ge [sflag:s14], $0x40  }
0x2c: {  	[sflag:s14] =	ssyncset.done $0x0  }
0x2d: {  	s10 =	rddreg [dreg:$0x5];
	[sflag:s14] =	ssyncadd.s32 $0xFFFFFFC0  }
0x2e: {  	[tilespmem:s4], [sflag:$0x1] =	stream.strided.gather [hbm4b:s10+s16], $0x2000, s17, s16, $0x38;
	[tilespmem:$0xD080] =	vst v63  }
0x2f: {  	s11 =	rddreg [dreg:$0x7]  }
0x30: {  	[tilespmem:s18], [sflag:$0x2] =	stream.strided.gather [hbm4b:s11+s16], $0x2000, s17, s16, $0x38;
	[tilespmem:$0xD080] =	vst v63  }
0x31: {  	s12 =	rddreg [dreg:$0x8]  }
0x32: {  	[tilespmem:s19], [sflag:$0x3] =	stream.strided.gather [hbm4b:s12+s16], $0x2000, s17, s16, $0x38;
	[tilespmem:$0xD080] =	vst v63  }
0x33: {  	s5 =	simm.s32 $0x0;
	s30 =	rddreg [dreg:$0x9]  }
0x34: {  	[tilespmem:s20], [sflag:$0x4] =	stream.strided.gather [hbm4b:s30+s16], $0x2000, s17, s16, $0x38;
	[tilespmem:$0xD080] =	vst v63  }
.LBB2_2:
0x35: {  	s6 =	sshll.u32 s5, $0x3;
	_ =	swait.ge [sflag:s21], $0x2000  }
0x36: {  	p0 =	seq.s32 s5, $0x0;
	v0 =	vmov s6;
	s6 =	sor.u32 $0x1, s6;
	[sflag:s21] =	ssyncset.done $0x0  }
0x37: {  	v1 =	vmov s6;
	[sflag:s21] =	ssyncadd.s32 $0xFFFFE000;
	s6 =	simm.s32 @!p0 $0x5  }
0x38: {  	v0 =	vbroadcast v0, $0x0;
	_ =	swait.ge @!p0 [sflag:s6], $0x1000  }
0x39: {  	v1 =	vbroadcast v1, $0x0;
	[sflag:s6] =	ssyncset.done @!p0 $0x0  }
0x3a: {  	s11 =	simm.s32 $0xC040;
	[sflag:s6] =	ssyncadd.s32 @!p0 $0xFFFFF000  }
0x3b: {  	v4 =	vld [tilespmem:s11+$0xFFFFFFC0]  }
0x3c: {  	v5 =	vld [tilespmem:s11+$0x10]  }
0x3d: {  	v6 =	vld [tilespmem:s11+$0xFFFFFFD0]  }
0x3e: {  	v0 =	vld.idx.msk [tilespmem:v0+s15+$0x0], $0xffff  }
0x3f: {  	v1 =	vld.idx.msk [tilespmem:v1+s15+$0x0], $0xffff  }
0x40: {  	v8 =	vld [tilespmem:s11+$0x0]  }
0x41: {  	v7 =	vld [tilespmem:s11+$0x20]  }
0x42: {  	v11 =	vld [tilespmem:s11+$0xFFFFFFE0]  }
0x43: {  	v2 =	vmul.f32 $4.096000000e+03, v0;
	v0 =	vld [tilespmem:s11+$0x30]  }
0x44: {  	v3 =	vmul.f32 $4.096000000e+03, v1  }
0x45: {  	v1 =	vmul.f32 v4, v2;
	v4 =	vld [tilespmem:s11+$0xFFFFFFF0];
	v8 =	vmul.f32 v8, v2  }
0x46: {  	v6 =	vmul.f32 v6, v2;
	v5 =	vmul.f32 v5, v2  }
0x47: {  	v7 =	vmul.f32 v7, v2;
	v1 =	vadd.f32 v1, v3;
	v12 =	vadd.f32 v8, v3  }
0x48: {  	v11 =	vmul.f32 v11, v2;
	v0 =	vmul.f32 v0, v2  }
0x49: {  	v14 =	vadd.f32 v6, v3;
	v9 =	vmin.f32 v1, $8.191000000e+03;
	v16 =	vmin.f32 v12, $8.191000000e+03  }
0x4a: {  	v10 =	vtrunc.f32 v9;
	v6 =	vadd.f32 v0, v3;
	v4 =	vmul.f32 v4, v2  }
0x4b: {  	v9 =	vadd.f32 v5, v3;
	v0 =	vadd.f32 v7, v3;
	v16 =	vtrunc.f32 v16  }
0x4c: {  	v5 =	vmin.f32 v14, $8.191000000e+03;
	v21 =	vcvt.f32.s32 v16;
	v7 =	vadd.f32 v4, v3  }
0x4d: {  	v4 =	vtrunc.f32 v5;
	v5 =	vmin.f32 v9, $8.191000000e+03;
	v13 =	vmin.f32 v0, $8.191000000e+03  }
0x4e: {  	v20 =	vmin.f32 v6, $8.191000000e+03;
	v4 =	vcvt.f32.s32 v4;
	v8 =	vtrunc.f32 v5  }
0x4f: {  	v5 =	vadd.f32 v11, v3;
	v13 =	vtrunc.f32 v13;
	v20 =	vtrunc.f32 v20  }
0x50: {  	v19 =	vcvt.f32.s32 v8;
	v13 =	vcvt.f32.s32 v13  }
0x51: {  	v25 =	vcvt.f32.s32 v20;
	v11 =	vcvt.s32.f32 v4;
	v8 =	vmin.f32 v5, $8.191000000e+03  }
0x52: {  	v15 =	vmin.f32 v7, $8.191000000e+03;
	v8 =	vtrunc.f32 v8;
	v18 =	vcvt.s32.f32 v19  }
0x53: {  	v15 =	vtrunc.f32 v15;
	v17 =	vadd.f32 $1.000000000e+00, v11;
	v24 =	vcvt.f32.s32 v8  }
0x54: {  	v23 =	vcvt.f32.s32 v15;
	v11 =	vsub.f32 v14, v11;
	v8 =	vsub.f32 v9, v18  }
0x55: {  	v26 =	vadd.f32 $1.000000000e+00, v18;
	v18 =	vcvt.s32.f32 v21;
	v17 =	vmin.f32 v17, $8.191000000e+03  }
0x56: {  	v15 =	vcvt.s32.f32 v24;
	v16 =	vsub.f32 v17, v14;
	v14 =	vcvt.s32.f32 v13  }
0x57: {  	s8 =	sshll.u32 s5, $0x2;
	s12 =	sshll.u32 s5, $0x6;
	v22 =	vtrunc.f32 v17;
	v26 =	vmin.f32 v26, $8.191000000e+03;
	v20 =	vld.idx.msk [tilespmem:v19+s4+$0x0], $0xffff;
	v28 =	vadd.f32 $1.000000000e+00, v18  }
0x58: {  	s30 =	simm.s32 $0xC0C0;
	s9 =	sor.u32 s7, s8;
	s10 =	sand.u32 $0x40, s12;
	v17 =	vcvt.f32.s32 v22;
	v22 =	vld.idx.msk [tilespmem:v4+s4+$0x0], $0xffff;
	v27 =	vtrunc.f32 v26;
	v19 =	vadd.f32 $1.000000000e+00, v14  }
0x59: {  	s12 =	simm.s32 $0x8040;
	s6 =	simm.s32 $0x0;
	s11 =	simm.s32 $0x8040;
	v4 =	vsub.f32 v0, v14;
	v14 =	vld.idx.msk [tilespmem:v24+s4+$0x0], $0xffff;
	v24 =	vcvt.f32.s32 v27;
	v27 =	vcvt.s32.f32 v25  }
.LBB2_3:
0x5a: {  	s6 =	sadd.s32 $0x80, s6;
	v10 =	vcvt.f32.s32 v10;
	v18 =	vsub.f32 v12, v18;
	v9 =	vsub.f32 v26, v9;
	v25 =	vld.idx.msk [tilespmem:v25+s4+$0x0], $0xffff;
	s12 =	sadd.s32 $0x80, s12  }
0x5b: {  	v29 =	vadd.f32 $1.000000000e+00, v15;
	v26 =	vld [tilespmem:s30+$0x10];
	p1 =	slt.u32 s6, $0xF80;
	v28 =	vmin.f32 v28, $8.191000000e+03;
	v30 =	vadd.f32 $1.000000000e+00, v27  }
0x5c: {  	v32 =	vcvt.s32.f32 v23;
	v27 =	vsub.f32 v6, v27;
	v31 =	vld [tilespmem:s30+$0xFFFFFFC0];
	v12 =	vsub.f32 v28, v12  }
0x5d: {  	v33 =	vcvt.s32.f32 v10;
	v29 =	vmin.f32 v29, $8.191000000e+03;
	v23 =	vld.idx.msk [tilespmem:v23+s4+$0x0], $0xffff;
	v30 =	vmin.f32 v30, $8.191000000e+03  }
0x5e: {  	v34 =	vadd.f32 $1.000000000e+00, v32;
	v21 =	vld.idx.msk [tilespmem:v21+s4+$0x0], $0xffff;
	v35 =	vtrunc.f32 v30;
	v30 =	vsub.f32 v30, v6  }
0x5f: {  	v32 =	vsub.f32 v7, v32;
	v36 =	vtrunc.f32 v29;
	v6 =	vld [tilespmem:s30+$0x30];
	v35 =	vcvt.f32.s32 v35  }
0x60: {  	v16 =	vmul.f32 v16, v22;
	v37 =	vadd.f32 $1.000000000e+00, v33;
	v38 =	vld.idx.msk [tilespmem:v10+s4+$0x0], $0xffff;
	v10 =	vtrunc.f32 v28  }
0x61: {  	v28 =	vsub.f32 v1, v33;
	v22 =	vmul.f32 v31, v2;
	v31 =	vmin.f32 v34, $8.191000000e+03;
	v24 =	vld.idx.msk [tilespmem:v24+s4+$0x0], $0xffff  }
0x62: {  	v20 =	vmul.f32 v9, v20;
	v34 =	vmin.f32 v37, $8.191000000e+03;
	v33 =	vld [tilespmem:s30+$0xFFFFFFD0];
	v7 =	vsub.f32 v31, v7  }
0x63: {  	v9 =	vadd.f32 v22, v3;
	v22 =	vmul.f32 v26, v2;
	v17 =	vld.idx.msk [tilespmem:v17+s4+$0x0], $0xffff;
	v26 =	vcvt.f32.s32 v10  }
0x64: {  	v36 =	vcvt.f32.s32 v36;
	v39 =	vsub.f32 v34, v1;
	v31 =	vtrunc.f32 v31;
	v37 =	vld [tilespmem:s30+$0x20]  }
0x65: {  	v6 =	vmul.f32 v6, v2;
	v23 =	vmul.f32 v7, v23;
	v10 =	vmin.f32 v9, $8.191000000e+03;
	v40 =	vld [tilespmem:s30+$0xFFFFFFF0];
	v1 =	vmovc v9  }
0x66: {  	v15 =	vsub.f32 v5, v15;
	v31 =	vcvt.f32.s32 v31;
	v10 =	vtrunc.f32 v10;
	v7 =	vld [tilespmem:s30+$0x0]  }
0x67: {  	v21 =	vmul.f32 v12, v21;
	v9 =	vtrunc.f32 v34;
	v6 =	vadd.f32 v6, v3  }
0x68: {  	v19 =	vmin.f32 v19, $8.191000000e+03;
	v30 =	vmul.f32 v30, v25;
	v34 =	vmul.f32 v39, v38;
	v12 =	vld [tilespmem:s30+$0xFFFFFFE0]  }
0x69: {  	v5 =	vsub.f32 v29, v5;
	v25 =	vmul.f32 v37, v2;
	v37 =	vcvt.f32.s32 v9  }
0x6a: {  	v8 =	vmul.f32 v8, v24;
	v29 =	vmul.f32 v33, v2;
	v9 =	vadd.f32 v22, v3;
	v13 =	vld.idx.msk [tilespmem:v13+s4+$0x0], $0xffff  }
0x6b: {  	v22 =	vmul.f32 v40, v2;
	v24 =	vadd.f32 v25, v3;
	v25 =	vtrunc.f32 v19;
	v33 =	vld.idx.msk [tilespmem:v35+s4+$0x0], $0xffff  }
0x6c: {  	v14 =	vmul.f32 v5, v14;
	v11 =	vmul.f32 v11, v17;
	v29 =	vadd.f32 v29, v3;
	v17 =	vld.idx.msk [tilespmem:v36+s4+$0x0], $0xffff  }
0x6d: {  	v8 =	vadd.f32 v20, v8;
	v5 =	vmul.f32 v7, v2;
	v35 =	vmin.f32 v9, $8.191000000e+03;
	v26 =	vld.idx.msk [tilespmem:v26+s4+$0x0], $0xffff  }
0x6e: {  	v19 =	vsub.f32 v19, v0;
	v7 =	vadd.f32 v22, v3;
	v20 =	vmin.f32 v24, $8.191000000e+03;
	v0 =	vmovc v24  }
0x6f: {  	v22 =	vmul.f32 v12, v2;
	v12 =	vadd.f32 v5, v3;
	v24 =	vld.idx.msk [tilespmem:v37+s4+$0x0], $0xffff;
	[tilespmem:s11+$0x10] =	vst v8;
	v8 =	vcvt.f32.s32 v25  }
0x70: {  	v36 =	vmin.f32 v7, $8.191000000e+03;
	v25 =	vtrunc.f32 v35;
	v19 =	vmul.f32 v19, v13  }
0x71: {  	v5 =	vmin.f32 v29, $8.191000000e+03;
	v13 =	vtrunc.f32 v20;
	v27 =	vmul.f32 v27, v33;
	v20 =	vld.idx.msk [tilespmem:v31+s4+$0x0], $0xffff  }
0x72: {  	v31 =	vtrunc.f32 v5;
	v5 =	vadd.f32 v22, v3;
	v22 =	vmin.f32 v12, $8.191000000e+03  }
0x73: {  	v11 =	vadd.f32 v16, v11;
	v15 =	vmul.f32 v15, v17;
	v31 =	vcvt.f32.s32 v31  }
0x74: {  	v33 =	vcvt.f32.s32 v25;
	v17 =	vmul.f32 v18, v26;
	v16 =	vmin.f32 v5, $8.191000000e+03  }
0x75: {  	v18 =	vtrunc.f32 v22;
	v22 =	vmul.f32 v28, v24;
	[tilespmem:s11+$0xFFFFFFD0] =	vst v11;
	v11 =	vadd.f32 v14, v15;
	v14 =	vld.idx.msk [tilespmem:v8+s4+$0x0], $0xffff  }
0x76: {  	v15 =	vcvt.s32.f32 v31;
	v8 =	vtrunc.f32 v16;
	v16 =	vadd.f32 v21, v17  }
0x77: {  	v17 =	vcvt.s32.f32 v33;
	v21 =	vmin.f32 v6, $8.191000000e+03;
	v22 =	vadd.f32 v34, v22  }
0x78: {  	v25 =	vtrunc.f32 v21;
	v20 =	vmul.f32 v32, v20;
	v24 =	vadd.f32 $1.000000000e+00, v15;
	[tilespmem:s11+$0x0] =	vst v16  }
0x79: {  	v28 =	vcvt.f32.s32 v8;
	v21 =	vcvt.f32.s32 v18;
	v8 =	vsub.f32 v9, v17;
	[tilespmem:s11+$0xFFFFFFC0] =	vst v22  }
0x7a: {  	v16 =	vmin.f32 v24, $8.191000000e+03;
	v22 =	vadd.f32 $1.000000000e+00, v17;
	[tilespmem:s11+$0xFFFFFFE0] =	vst v11;
	v11 =	vadd.f32 v23, v20  }
0x7b: {  	v13 =	vcvt.f32.s32 v13;
	v17 =	vtrunc.f32 v16;
	v16 =	vsub.f32 v16, v29  }
0x7c: {  	v25 =	vcvt.f32.s32 v25;
	v4 =	vmul.f32 v4, v14;
	v14 =	vadd.f32 v30, v27;
	[tilespmem:s11+$0xFFFFFFF0] =	vst v11  }
.Ltmp2:
0x7d: {  	v17 =	vcvt.f32.s32 v17;
	v11 =	vsub.f32 v29, v15;
	v15 =	vtrunc.f32 v36;
	(pc) =	sbr.rel @p1 .LBB2_3-.Ltmp2, $4  }
0x7e: {  	v24 =	vcvt.s32.f32 v13;
	v27 =	vadd.f32 v19, v4;
	v23 =	vcvt.f32.s32 v15;
	[tilespmem:s11+$0x30] =	vst v14  }
0x7f: {  	v18 =	vcvt.s32.f32 v21;
	v26 =	vmin.f32 v22, $8.191000000e+03;
	v15 =	vcvt.s32.f32 v28;
	v20 =	vld.idx.msk [tilespmem:v33+s4+$0x0], $0xffff  }
0x80: {  	v29 =	vtrunc.f32 v26;
	v19 =	vadd.f32 $1.000000000e+00, v24;
	v4 =	vsub.f32 v0, v24;
	v22 =	vld.idx.msk [tilespmem:v31+s4+$0x0], $0xffff;
	[tilespmem:s11+$0x20] =	vst v27;
	s11 =	smov.u32 s12  }
0x81: {  	s30 =	sadd.s32 $0x80, s30;
	v24 =	vcvt.f32.s32 v29;
	v27 =	vcvt.s32.f32 v25;
	v14 =	vld.idx.msk [tilespmem:v28+s4+$0x0], $0xffff;
	v28 =	vadd.f32 $1.000000000e+00, v18  }
0x82: {  	v2 =	vcvt.f32.s32 v10;
	_ =	sdelay $0x1  }
0x83: {  	v3 =	vcvt.s32.f32 v2;
	_ =	sdelay $0x1  }
0x84: {  	v10 =	vcvt.s32.f32 v23;
	v29 =	vadd.f32 $1.000000000e+00, v3  }
0x85: {  	v30 =	vadd.f32 $1.000000000e+00, v15;
	v28 =	vmin.f32 v28, $8.191000000e+03;
	v31 =	vadd.f32 $1.000000000e+00, v27  }
0x86: {  	v25 =	vld.idx.msk [tilespmem:v25+s4+$0x0], $0xffff;
	v32 =	vadd.f32 $1.000000000e+00, v10;
	v33 =	vtrunc.f32 v28;
	v29 =	vmin.f32 v29, $8.191000000e+03  }
0x87: {  	v23 =	vld.idx.msk [tilespmem:v23+s4+$0x0], $0xffff;
	v30 =	vmin.f32 v30, $8.191000000e+03;
	v33 =	vcvt.f32.s32 v33;
	v34 =	vtrunc.f32 v29  }
0x88: {  	v21 =	vld.idx.msk [tilespmem:v21+s4+$0x0], $0xffff;
	v35 =	vtrunc.f32 v30;
	v32 =	vmin.f32 v32, $8.191000000e+03;
	v34 =	vcvt.f32.s32 v34  }
0x89: {  	v17 =	vld.idx.msk [tilespmem:v17+s4+$0x0], $0xffff;
	v31 =	vmin.f32 v31, $8.191000000e+03;
	v35 =	vcvt.f32.s32 v35;
	v36 =	vtrunc.f32 v32  }
0x8a: {  	v19 =	vmin.f32 v19, $8.191000000e+03;
	v13 =	vld.idx.msk [tilespmem:v13+s4+$0x0], $0xffff;
	v37 =	vtrunc.f32 v31;
	v36 =	vcvt.f32.s32 v36  }
0x8b: {  	v9 =	vsub.f32 v26, v9;
	v24 =	vld.idx.msk [tilespmem:v24+s4+$0x0], $0xffff;
	v62 =	vtrunc.f32 v19;
	v26 =	vcvt.f32.s32 v37  }
0x8c: {  	v18 =	vsub.f32 v12, v18;
	v12 =	vsub.f32 v28, v12;
	v28 =	vcvt.f32.s32 v62;
	v2 =	vld.idx.msk [tilespmem:v2+s4+$0x0], $0xffff  }
0x8d: {  	v27 =	vsub.f32 v6, v27;
	v6 =	vsub.f32 v31, v6;
	v31 =	vld.idx.msk [tilespmem:v33+s4+$0x0], $0xffff  }
0x8e: {  	v15 =	vsub.f32 v5, v15;
	v0 =	vsub.f32 v19, v0;
	v63 =	vld.idx.msk [tilespmem:v34+s4+$0x0], $0xffff  }
0x8f: {  	v10 =	vsub.f32 v7, v10;
	v9 =	vmul.f32 v9, v20;
	v16 =	vmul.f32 v16, v22;
	v20 =	vld.idx.msk [tilespmem:v35+s4+$0x0], $0xffff  }
0x90: {  	v5 =	vsub.f32 v30, v5;
	v3 =	vsub.f32 v1, v3;
	v8 =	vmul.f32 v8, v24;
	v22 =	vld.idx.msk [tilespmem:v36+s4+$0x0], $0xffff  }
0x91: {  	v12 =	vmul.f32 v12, v21;
	v11 =	vmul.f32 v11, v17;
	v1 =	vsub.f32 v29, v1;
	v21 =	vld.idx.msk [tilespmem:v26+s4+$0x0], $0xffff  }
0x92: {  	v7 =	vsub.f32 v32, v7;
	v8 =	vadd.f32 v9, v8;
	v17 =	vld.idx.msk [tilespmem:v28+s4+$0x0], $0xffff;
	v9 =	vmul.f32 v18, v31  }
0x93: {  	v1 =	vmul.f32 v1, v2;
	v2 =	vadd.f32 v16, v11;
	v3 =	vmul.f32 v3, v63  }
0x94: {  	v5 =	vmul.f32 v5, v14;
	[tilespmem:s11+$0x10] =	vst v8;
	v8 =	vmul.f32 v15, v20;
	v9 =	vadd.f32 v12, v9  }
0x95: {  	v7 =	vmul.f32 v7, v23;
	[tilespmem:s11+$0xFFFFFFD0] =	vst v2;
	v2 =	vmul.f32 v10, v22;
	v1 =	vadd.f32 v1, v3  }
0x96: {  	v5 =	vadd.f32 v5, v8;
	[tilespmem:s11+$0x0] =	vst v9;
	v3 =	vmul.f32 v6, v25;
	v6 =	vmul.f32 v27, v21  }
0x97: {  	v0 =	vmul.f32 v0, v13;
	[tilespmem:s11+$0xFFFFFFC0] =	vst v1;
	v1 =	vadd.f32 v7, v2;
	v2 =	vmul.f32 v4, v17  }
0x98: {  	[tilespmem:s11+$0xFFFFFFE0] =	vst v5;
	v3 =	vadd.f32 v3, v6  }
0x99: {  	s6 =	sshll.u32 s9, $0x9;
	[tilespmem:s11+$0xFFFFFFF0] =	vst v1;
	v0 =	vadd.f32 v0, v2  }
0x9a: {  	s10 =	sadd.s32 s3, s10;
	s6 =	sand.u32 $0xFFFF000, s6;
	[tilespmem:s11+$0x30] =	vst v3  }
0x9b: {  	p1 =	seq.s32 s5, $0x7;
	s6 =	sadd.s32 s6, s10;
	[tilespmem:s11+$0x20] =	vst v0  }
0x9c: {  	[hbm4b:s6+s16] =	stream.strided.scatter [tilespmem:s22], [sflag:$0x5], $0x1000, s17, s16, $0x38;
	[tilespmem:$0xD080] =	vst v63  }
0x9d: {  	s6 =	sadd.s32 @!p1 $0x4, s9  }
0x9e: {  	s9 =	sshll.u32 @!p1 s6, $0x4;
	s6 =	sshll.u32 @!p1 s6, $0xA  }
0x9f: {  	s9 =	sand.u32 @!p1 $0x40, s9;
	s10 =	sand.u32 @!p1 $0xFFFE000, s6;
	s6 =	sor.u32 $0x1, s8  }
0xa0: {  	s12 =	simm.s32 @!p1 $0x400;
	s9 =	sadd.s32 @!p1 s1, s9;
	s11 =	sshll.u32 s6, $0x1  }
0xa1: {  	s30 =	simm.s32 @!p1 $0x0;
	s9 =	sadd.s32 @!p1 s10, s9;
	s10 =	simm.s32 @!p1 $0x80;
	v0 =	vmov s11  }
0xa2: {  	[tilespmem:s30], [sflag:$0x1] =	stream.strided.gather @!p1 [hbm4b:s9+s10], $0x2000, s12, s10, $0x38;
	v0 =	vand.u32 $0xFFFFFFFA, v0;
	[tilespmem:$0xD080] =	vst v63  }
0xa3: {  	_ =	swait.ge [sflag:s23], $0x2000;
	v0 =	vbroadcast v0, $0x0  }
0xa4: {  	s11 =	sshllo.u32 s6, $0x1;
	[sflag:s23] =	ssyncset.done $0x0  }
0xa5: {  	v1 =	vmov s11;
	s9 =	simm.s32 @!p0 $0x6;
	[sflag:s23] =	ssyncadd.s32 $0xFFFFE000  }
0xa6: {  	v1 =	vand.u32 $0xFFFFFFFB, v1;
	_ =	swait.ge @!p0 [sflag:s9], $0x1000  }
0xa7: {  	v1 =	vbroadcast v1, $0x0;
	[sflag:s9] =	ssyncset.done @!p0 $0x0  }
0xa8: {  	[sflag:s9] =	ssyncadd.s32 @!p0 $0xFFFFF000  }
0xa9: {  	s11 =	simm.s32 $0xC040;
	v0 =	vld.idx.msk [tilespmem:v0+s15+$0x0], $0xffff  }
0xaa: {  	v4 =	vld [tilespmem:s11+$0xFFFFFFC0]  }
0xab: {  	v5 =	vld [tilespmem:s11+$0x10]  }
0xac: {  	v6 =	vld [tilespmem:s11+$0xFFFFFFD0]  }
0xad: {  	v1 =	vld.idx.msk [tilespmem:v1+s15+$0x0], $0xffff  }
0xae: {  	v8 =	vld [tilespmem:s11+$0x0]  }
0xaf: {  	v7 =	vld [tilespmem:s11+$0x20]  }
0xb0: {  	v11 =	vld [tilespmem:s11+$0xFFFFFFE0]  }
0xb1: {  	v2 =	vmul.f32 $4.096000000e+03, v0;
	v0 =	vld [tilespmem:s11+$0x30]  }
0xb2: {  	v3 =	vmul.f32 $4.096000000e+03, v1  }
0xb3: {  	v1 =	vmul.f32 v4, v2;
	v4 =	vld [tilespmem:s11+$0xFFFFFFF0];
	v8 =	vmul.f32 v8, v2  }
0xb4: {  	v6 =	vmul.f32 v6, v2;
	v5 =	vmul.f32 v5, v2  }
0xb5: {  	v7 =	vmul.f32 v7, v2;
	v1 =	vadd.f32 v1, v3;
	v12 =	vadd.f32 v8, v3  }
0xb6: {  	v11 =	vmul.f32 v11, v2;
	v0 =	vmul.f32 v0, v2  }
0xb7: {  	v14 =	vadd.f32 v6, v3;
	v9 =	vmin.f32 v1, $8.191000000e+03;
	v16 =	vmin.f32 v12, $8.191000000e+03  }
0xb8: {  	v10 =	vtrunc.f32 v9;
	v6 =	vadd.f32 v0, v3;
	v4 =	vmul.f32 v4, v2  }
0xb9: {  	v9 =	vadd.f32 v5, v3;
	v0 =	vadd.f32 v7, v3;
	v16 =	vtrunc.f32 v16  }
0xba: {  	v5 =	vmin.f32 v14, $8.191000000e+03;
	v21 =	vcvt.f32.s32 v16;
	v7 =	vadd.f32 v4, v3  }
0xbb: {  	v4 =	vtrunc.f32 v5;
	v5 =	vmin.f32 v9, $8.191000000e+03;
	v13 =	vmin.f32 v0, $8.191000000e+03  }
0xbc: {  	v20 =	vmin.f32 v6, $8.191000000e+03;
	v4 =	vcvt.f32.s32 v4;
	v8 =	vtrunc.f32 v5  }
0xbd: {  	v5 =	vadd.f32 v11, v3;
	v13 =	vtrunc.f32 v13;
	v20 =	vtrunc.f32 v20  }
0xbe: {  	v19 =	vcvt.f32.s32 v8;
	v13 =	vcvt.f32.s32 v13  }
0xbf: {  	v25 =	vcvt.f32.s32 v20;
	v11 =	vcvt.s32.f32 v4;
	v8 =	vmin.f32 v5, $8.191000000e+03  }
0xc0: {  	v15 =	vmin.f32 v7, $8.191000000e+03;
	v8 =	vtrunc.f32 v8;
	v18 =	vcvt.s32.f32 v19  }
0xc1: {  	v15 =	vtrunc.f32 v15;
	v17 =	vadd.f32 $1.000000000e+00, v11;
	v24 =	vcvt.f32.s32 v8  }
0xc2: {  	v23 =	vcvt.f32.s32 v15;
	v11 =	vsub.f32 v14, v11;
	v8 =	vsub.f32 v9, v18  }
0xc3: {  	v26 =	vadd.f32 $1.000000000e+00, v18;
	v18 =	vcvt.s32.f32 v21;
	v17 =	vmin.f32 v17, $8.191000000e+03  }
0xc4: {  	v15 =	vcvt.s32.f32 v24;
	v16 =	vsub.f32 v17, v14;
	v14 =	vcvt.s32.f32 v13  }
0xc5: {  	s12 =	sshll.u32 s6, $0x4;
	v22 =	vtrunc.f32 v17;
	v26 =	vmin.f32 v26, $8.191000000e+03;
	v20 =	vld.idx.msk [tilespmem:v19+s18+$0x0], $0xffff;
	v28 =	vadd.f32 $1.000000000e+00, v18  }
0xc6: {  	s30 =	simm.s32 $0xC0C0;
	s10 =	sand.u32 $0x50, s12;
	s12 =	simm.s32 $0x9040;
	v17 =	vcvt.f32.s32 v22;
	v22 =	vld.idx.msk [tilespmem:v4+s18+$0x0], $0xffff;
	v27 =	vtrunc.f32 v26;
	v19 =	vadd.f32 $1.000000000e+00, v14  }
0xc7: {  	s9 =	sor.u32 s7, s6;
	s6 =	simm.s32 $0x0;
	s11 =	simm.s32 $0x9040;
	v4 =	vsub.f32 v0, v14;
	v14 =	vld.idx.msk [tilespmem:v24+s18+$0x0], $0xffff;
	v24 =	vcvt.f32.s32 v27;
	v27 =	vcvt.s32.f32 v25  }
.LBB2_5:
0xc8: {  	s6 =	sadd.s32 $0x80, s6;
	v10 =	vcvt.f32.s32 v10;
	v18 =	vsub.f32 v12, v18;
	v9 =	vsub.f32 v26, v9;
	v25 =	vld.idx.msk [tilespmem:v25+s18+$0x0], $0xffff;
	s12 =	sadd.s32 $0x80, s12  }
0xc9: {  	v29 =	vadd.f32 $1.000000000e+00, v15;
	v26 =	vld [tilespmem:s30+$0x10];
	p2 =	slt.u32 s6, $0xF80;
	v28 =	vmin.f32 v28, $8.191000000e+03;
	v30 =	vadd.f32 $1.000000000e+00, v27  }
0xca: {  	v32 =	vcvt.s32.f32 v23;
	v27 =	vsub.f32 v6, v27;
	v31 =	vld [tilespmem:s30+$0xFFFFFFC0];
	v12 =	vsub.f32 v28, v12  }
0xcb: {  	v33 =	vcvt.s32.f32 v10;
	v29 =	vmin.f32 v29, $8.191000000e+03;
	v23 =	vld.idx.msk [tilespmem:v23+s18+$0x0], $0xffff;
	v30 =	vmin.f32 v30, $8.191000000e+03  }
0xcc: {  	v34 =	vadd.f32 $1.000000000e+00, v32;
	v21 =	vld.idx.msk [tilespmem:v21+s18+$0x0], $0xffff;
	v35 =	vtrunc.f32 v30;
	v30 =	vsub.f32 v30, v6  }
0xcd: {  	v32 =	vsub.f32 v7, v32;
	v36 =	vtrunc.f32 v29;
	v6 =	vld [tilespmem:s30+$0x30];
	v35 =	vcvt.f32.s32 v35  }
0xce: {  	v16 =	vmul.f32 v16, v22;
	v37 =	vadd.f32 $1.000000000e+00, v33;
	v38 =	vld.idx.msk [tilespmem:v10+s18+$0x0], $0xffff;
	v10 =	vtrunc.f32 v28  }
0xcf: {  	v28 =	vsub.f32 v1, v33;
	v22 =	vmul.f32 v31, v2;
	v31 =	vmin.f32 v34, $8.191000000e+03;
	v24 =	vld.idx.msk [tilespmem:v24+s18+$0x0], $0xffff  }
0xd0: {  	v20 =	vmul.f32 v9, v20;
	v34 =	vmin.f32 v37, $8.191000000e+03;
	v33 =	vld [tilespmem:s30+$0xFFFFFFD0];
	v7 =	vsub.f32 v31, v7  }
0xd1: {  	v9 =	vadd.f32 v22, v3;
	v22 =	vmul.f32 v26, v2;
	v17 =	vld.idx.msk [tilespmem:v17+s18+$0x0], $0xffff;
	v26 =	vcvt.f32.s32 v10  }
0xd2: {  	v36 =	vcvt.f32.s32 v36;
	v39 =	vsub.f32 v34, v1;
	v31 =	vtrunc.f32 v31;
	v37 =	vld [tilespmem:s30+$0x20]  }
0xd3: {  	v6 =	vmul.f32 v6, v2;
	v23 =	vmul.f32 v7, v23;
	v10 =	vmin.f32 v9, $8.191000000e+03;
	v40 =	vld [tilespmem:s30+$0xFFFFFFF0];
	v1 =	vmovc v9  }
0xd4: {  	v15 =	vsub.f32 v5, v15;
	v31 =	vcvt.f32.s32 v31;
	v10 =	vtrunc.f32 v10;
	v7 =	vld [tilespmem:s30+$0x0]  }
0xd5: {  	v21 =	vmul.f32 v12, v21;
	v9 =	vtrunc.f32 v34;
	v6 =	vadd.f32 v6, v3  }
0xd6: {  	v19 =	vmin.f32 v19, $8.191000000e+03;
	v30 =	vmul.f32 v30, v25;
	v34 =	vmul.f32 v39, v38;
	v12 =	vld [tilespmem:s30+$0xFFFFFFE0]  }
0xd7: {  	v5 =	vsub.f32 v29, v5;
	v25 =	vmul.f32 v37, v2;
	v37 =	vcvt.f32.s32 v9  }
0xd8: {  	v8 =	vmul.f32 v8, v24;
	v29 =	vmul.f32 v33, v2;
	v9 =	vadd.f32 v22, v3;
	v13 =	vld.idx.msk [tilespmem:v13+s18+$0x0], $0xffff  }
0xd9: {  	v22 =	vmul.f32 v40, v2;
	v24 =	vadd.f32 v25, v3;
	v25 =	vtrunc.f32 v19;
	v33 =	vld.idx.msk [tilespmem:v35+s18+$0x0], $0xffff  }
0xda: {  	v14 =	vmul.f32 v5, v14;
	v11 =	vmul.f32 v11, v17;
	v29 =	vadd.f32 v29, v3;
	v17 =	vld.idx.msk [tilespmem:v36+s18+$0x0], $0xffff  }
0xdb: {  	v8 =	vadd.f32 v20, v8;
	v5 =	vmul.f32 v7, v2;
	v35 =	vmin.f32 v9, $8.191000000e+03;
	v26 =	vld.idx.msk [tilespmem:v26+s18+$0x0], $0xffff  }
0xdc: {  	v19 =	vsub.f32 v19, v0;
	v7 =	vadd.f32 v22, v3;
	v20 =	vmin.f32 v24, $8.191000000e+03;
	v0 =	vmovc v24  }
0xdd: {  	v22 =	vmul.f32 v12, v2;
	v12 =	vadd.f32 v5, v3;
	v24 =	vld.idx.msk [tilespmem:v37+s18+$0x0], $0xffff;
	[tilespmem:s11+$0x10] =	vst v8;
	v8 =	vcvt.f32.s32 v25  }
0xde: {  	v36 =	vmin.f32 v7, $8.191000000e+03;
	v25 =	vtrunc.f32 v35;
	v19 =	vmul.f32 v19, v13  }
0xdf: {  	v5 =	vmin.f32 v29, $8.191000000e+03;
	v13 =	vtrunc.f32 v20;
	v27 =	vmul.f32 v27, v33;
	v20 =	vld.idx.msk [tilespmem:v31+s18+$0x0], $0xffff  }
0xe0: {  	v31 =	vtrunc.f32 v5;
	v5 =	vadd.f32 v22, v3;
	v22 =	vmin.f32 v12, $8.191000000e+03  }
0xe1: {  	v11 =	vadd.f32 v16, v11;
	v15 =	vmul.f32 v15, v17;
	v31 =	vcvt.f32.s32 v31  }
0xe2: {  	v33 =	vcvt.f32.s32 v25;
	v17 =	vmul.f32 v18, v26;
	v16 =	vmin.f32 v5, $8.191000000e+03  }
0xe3: {  	v18 =	vtrunc.f32 v22;
	v22 =	vmul.f32 v28, v24;
	[tilespmem:s11+$0xFFFFFFD0] =	vst v11;
	v11 =	vadd.f32 v14, v15;
	v14 =	vld.idx.msk [tilespmem:v8+s18+$0x0], $0xffff  }
0xe4: {  	v15 =	vcvt.s32.f32 v31;
	v8 =	vtrunc.f32 v16;
	v16 =	vadd.f32 v21, v17  }
0xe5: {  	v17 =	vcvt.s32.f32 v33;
	v21 =	vmin.f32 v6, $8.191000000e+03;
	v22 =	vadd.f32 v34, v22  }
0xe6: {  	v25 =	vtrunc.f32 v21;
	v20 =	vmul.f32 v32, v20;
	v24 =	vadd.f32 $1.000000000e+00, v15;
	[tilespmem:s11+$0x0] =	vst v16  }
0xe7: {  	v28 =	vcvt.f32.s32 v8;
	v21 =	vcvt.f32.s32 v18;
	v8 =	vsub.f32 v9, v17;
	[tilespmem:s11+$0xFFFFFFC0] =	vst v22  }
0xe8: {  	v16 =	vmin.f32 v24, $8.191000000e+03;
	v22 =	vadd.f32 $1.000000000e+00, v17;
	[tilespmem:s11+$0xFFFFFFE0] =	vst v11;
	v11 =	vadd.f32 v23, v20  }
0xe9: {  	v13 =	vcvt.f32.s32 v13;
	v17 =	vtrunc.f32 v16;
	v16 =	vsub.f32 v16, v29  }
0xea: {  	v25 =	vcvt.f32.s32 v25;
	v4 =	vmul.f32 v4, v14;
	v14 =	vadd.f32 v30, v27;
	[tilespmem:s11+$0xFFFFFFF0] =	vst v11  }
.Ltmp3:
0xeb: {  	v17 =	vcvt.f32.s32 v17;
	v11 =	vsub.f32 v29, v15;
	v15 =	vtrunc.f32 v36;
	(pc) =	sbr.rel @p2 .LBB2_5-.Ltmp3, $4  }
0xec: {  	v24 =	vcvt.s32.f32 v13;
	v27 =	vadd.f32 v19, v4;
	v23 =	vcvt.f32.s32 v15;
	[tilespmem:s11+$0x30] =	vst v14  }
0xed: {  	v18 =	vcvt.s32.f32 v21;
	v26 =	vmin.f32 v22, $8.191000000e+03;
	v15 =	vcvt.s32.f32 v28;
	v20 =	vld.idx.msk [tilespmem:v33+s18+$0x0], $0xffff  }
0xee: {  	v29 =	vtrunc.f32 v26;
	v19 =	vadd.f32 $1.000000000e+00, v24;
	v4 =	vsub.f32 v0, v24;
	v22 =	vld.idx.msk [tilespmem:v31+s18+$0x0], $0xffff;
	[tilespmem:s11+$0x20] =	vst v27;
	s11 =	smov.u32 s12  }
0xef: {  	s30 =	sadd.s32 $0x80, s30;
	v24 =	vcvt.f32.s32 v29;
	v27 =	vcvt.s32.f32 v25;
	v14 =	vld.idx.msk [tilespmem:v28+s18+$0x0], $0xffff;
	v28 =	vadd.f32 $1.000000000e+00, v18  }
0xf0: {  	v2 =	vcvt.f32.s32 v10;
	_ =	sdelay $0x1  }
0xf1: {  	v3 =	vcvt.s32.f32 v2;
	_ =	sdelay $0x1  }
0xf2: {  	v10 =	vcvt.s32.f32 v23;
	v29 =	vadd.f32 $1.000000000e+00, v3  }
0xf3: {  	v30 =	vadd.f32 $1.000000000e+00, v15;
	v28 =	vmin.f32 v28, $8.191000000e+03;
	v31 =	vadd.f32 $1.000000000e+00, v27  }
0xf4: {  	v25 =	vld.idx.msk [tilespmem:v25+s18+$0x0], $0xffff;
	v32 =	vadd.f32 $1.000000000e+00, v10;
	v33 =	vtrunc.f32 v28;
	v29 =	vmin.f32 v29, $8.191000000e+03  }
0xf5: {  	v23 =	vld.idx.msk [tilespmem:v23+s18+$0x0], $0xffff;
	v30 =	vmin.f32 v30, $8.191000000e+03;
	v33 =	vcvt.f32.s32 v33;
	v34 =	vtrunc.f32 v29  }
0xf6: {  	v21 =	vld.idx.msk [tilespmem:v21+s18+$0x0], $0xffff;
	v35 =	vtrunc.f32 v30;
	v32 =	vmin.f32 v32, $8.191000000e+03;
	v34 =	vcvt.f32.s32 v34  }
0xf7: {  	v17 =	vld.idx.msk [tilespmem:v17+s18+$0x0], $0xffff;
	v31 =	vmin.f32 v31, $8.191000000e+03;
	v35 =	vcvt.f32.s32 v35;
	v36 =	vtrunc.f32 v32  }
0xf8: {  	v19 =	vmin.f32 v19, $8.191000000e+03;
	v13 =	vld.idx.msk [tilespmem:v13+s18+$0x0], $0xffff;
	v37 =	vtrunc.f32 v31;
	v36 =	vcvt.f32.s32 v36  }
0xf9: {  	v9 =	vsub.f32 v26, v9;
	v24 =	vld.idx.msk [tilespmem:v24+s18+$0x0], $0xffff;
	v62 =	vtrunc.f32 v19;
	v26 =	vcvt.f32.s32 v37  }
0xfa: {  	v18 =	vsub.f32 v12, v18;
	v12 =	vsub.f32 v28, v12;
	v28 =	vcvt.f32.s32 v62;
	v2 =	vld.idx.msk [tilespmem:v2+s18+$0x0], $0xffff  }
0xfb: {  	v27 =	vsub.f32 v6, v27;
	v6 =	vsub.f32 v31, v6;
	v31 =	vld.idx.msk [tilespmem:v33+s18+$0x0], $0xffff  }
0xfc: {  	v15 =	vsub.f32 v5, v15;
	v0 =	vsub.f32 v19, v0;
	v63 =	vld.idx.msk [tilespmem:v34+s18+$0x0], $0xffff  }
0xfd: {  	v10 =	vsub.f32 v7, v10;
	v9 =	vmul.f32 v9, v20;
	v16 =	vmul.f32 v16, v22;
	v20 =	vld.idx.msk [tilespmem:v35+s18+$0x0], $0xffff  }
0xfe: {  	v5 =	vsub.f32 v30, v5;
	v3 =	vsub.f32 v1, v3;
	v8 =	vmul.f32 v8, v24;
	v22 =	vld.idx.msk [tilespmem:v36+s18+$0x0], $0xffff  }
0xff: {  	v12 =	vmul.f32 v12, v21;
	v11 =	vmul.f32 v11, v17;
	v1 =	vsub.f32 v29, v1;
	v21 =	vld.idx.msk [tilespmem:v26+s18+$0x0], $0xffff  }
0x100: {  	v7 =	vsub.f32 v32, v7;
	v8 =	vadd.f32 v9, v8;
	v17 =	vld.idx.msk [tilespmem:v28+s18+$0x0], $0xffff;
	v9 =	vmul.f32 v18, v31  }
0x101: {  	v1 =	vmul.f32 v1, v2;
	v2 =	vadd.f32 v16, v11;
	v3 =	vmul.f32 v3, v63  }
0x102: {  	v5 =	vmul.f32 v5, v14;
	[tilespmem:s11+$0x10] =	vst v8;
	v8 =	vmul.f32 v15, v20;
	v9 =	vadd.f32 v12, v9  }
0x103: {  	v7 =	vmul.f32 v7, v23;
	[tilespmem:s11+$0xFFFFFFD0] =	vst v2;
	v2 =	vmul.f32 v10, v22;
	v1 =	vadd.f32 v1, v3  }
0x104: {  	v5 =	vadd.f32 v5, v8;
	[tilespmem:s11+$0x0] =	vst v9;
	v3 =	vmul.f32 v6, v25;
	v6 =	vmul.f32 v27, v21  }
0x105: {  	v0 =	vmul.f32 v0, v13;
	[tilespmem:s11+$0xFFFFFFC0] =	vst v1;
	v1 =	vadd.f32 v7, v2;
	v2 =	vmul.f32 v4, v17  }
0x106: {  	[tilespmem:s11+$0xFFFFFFE0] =	vst v5;
	v3 =	vadd.f32 v3, v6  }
0x107: {  	s6 =	sshll.u32 s9, $0x9;
	[tilespmem:s11+$0xFFFFFFF0] =	vst v1;
	v0 =	vadd.f32 v0, v2  }
0x108: {  	s10 =	sadd.s32 s3, s10;
	s6 =	sand.u32 $0xFFFF000, s6;
	[tilespmem:s11+$0x30] =	vst v3  }
0x109: {  	s6 =	sadd.s32 s6, s10;
	[tilespmem:s11+$0x20] =	vst v0  }
0x10a: {  	[hbm4b:s6+s16] =	stream.strided.scatter [tilespmem:s24], [sflag:$0x6], $0x1000, s17, s16, $0x38;
	[tilespmem:$0xD080] =	vst v63  }
0x10b: {  	s6 =	sadd.s32 @!p1 $0x4, s9  }
0x10c: {  	s9 =	sshll.u32 @!p1 s6, $0x4;
	s6 =	sshll.u32 @!p1 s6, $0xA  }
0x10d: {  	s9 =	sand.u32 @!p1 $0x50, s9;
	s10 =	sand.u32 @!p1 $0xFFFE000, s6;
	s6 =	sor.u32 $0x2, s8  }
0x10e: {  	s12 =	simm.s32 @!p1 $0x400;
	s9 =	sadd.s32 @!p1 s1, s9;
	s11 =	sshll.u32 s6, $0x1  }
0x10f: {  	s30 =	simm.s32 @!p1 $0x2000;
	s9 =	sadd.s32 @!p1 s10, s9;
	s10 =	simm.s32 @!p1 $0x80;
	v0 =	vmov s11  }
0x110: {  	[tilespmem:s30], [sflag:$0x2] =	stream.strided.gather @!p1 [hbm4b:s9+s10], $0x2000, s12, s10, $0x38;
	v0 =	vand.u32 $0xFFFFFFFC, v0;
	[tilespmem:$0xD080] =	vst v63  }
0x111: {  	_ =	swait.ge [sflag:s25], $0x2000;
	v0 =	vbroadcast v0, $0x0  }
0x112: {  	s11 =	sshllo.u32 s6, $0x1;
	[sflag:s25] =	ssyncset.done $0x0  }
0x113: {  	v1 =	vmov s11;
	s9 =	simm.s32 @!p0 $0x7;
	[sflag:s25] =	ssyncadd.s32 $0xFFFFE000  }
0x114: {  	v1 =	vand.u32 $0xFFFFFFFD, v1;
	_ =	swait.ge @!p0 [sflag:s9], $0x1000  }
0x115: {  	v1 =	vbroadcast v1, $0x0;
	[sflag:s9] =	ssyncset.done @!p0 $0x0  }
0x116: {  	[sflag:s9] =	ssyncadd.s32 @!p0 $0xFFFFF000  }
0x117: {  	s11 =	simm.s32 $0xC040;
	v0 =	vld.idx.msk [tilespmem:v0+s15+$0x0], $0xffff  }
0x118: {  	v4 =	vld [tilespmem:s11+$0xFFFFFFC0]  }
0x119: {  	v5 =	vld [tilespmem:s11+$0x10]  }
0x11a: {  	v6 =	vld [tilespmem:s11+$0xFFFFFFD0]  }
0x11b: {  	v1 =	vld.idx.msk [tilespmem:v1+s15+$0x0], $0xffff  }
0x11c: {  	v8 =	vld [tilespmem:s11+$0x0]  }
0x11d: {  	v7 =	vld [tilespmem:s11+$0x20]  }
0x11e: {  	v11 =	vld [tilespmem:s11+$0xFFFFFFE0]  }
0x11f: {  	v2 =	vmul.f32 $4.096000000e+03, v0;
	v0 =	vld [tilespmem:s11+$0x30]  }
0x120: {  	v3 =	vmul.f32 $4.096000000e+03, v1  }
0x121: {  	v1 =	vmul.f32 v4, v2;
	v4 =	vld [tilespmem:s11+$0xFFFFFFF0];
	v8 =	vmul.f32 v8, v2  }
0x122: {  	v6 =	vmul.f32 v6, v2;
	v5 =	vmul.f32 v5, v2  }
0x123: {  	v7 =	vmul.f32 v7, v2;
	v1 =	vadd.f32 v1, v3;
	v12 =	vadd.f32 v8, v3  }
0x124: {  	v11 =	vmul.f32 v11, v2;
	v0 =	vmul.f32 v0, v2  }
0x125: {  	v14 =	vadd.f32 v6, v3;
	v9 =	vmin.f32 v1, $8.191000000e+03;
	v16 =	vmin.f32 v12, $8.191000000e+03  }
0x126: {  	v10 =	vtrunc.f32 v9;
	v6 =	vadd.f32 v0, v3;
	v4 =	vmul.f32 v4, v2  }
0x127: {  	v9 =	vadd.f32 v5, v3;
	v0 =	vadd.f32 v7, v3;
	v16 =	vtrunc.f32 v16  }
0x128: {  	v5 =	vmin.f32 v14, $8.191000000e+03;
	v21 =	vcvt.f32.s32 v16;
	v7 =	vadd.f32 v4, v3  }
0x129: {  	v4 =	vtrunc.f32 v5;
	v5 =	vmin.f32 v9, $8.191000000e+03;
	v13 =	vmin.f32 v0, $8.191000000e+03  }
0x12a: {  	v20 =	vmin.f32 v6, $8.191000000e+03;
	v4 =	vcvt.f32.s32 v4;
	v8 =	vtrunc.f32 v5  }
0x12b: {  	v5 =	vadd.f32 v11, v3;
	v13 =	vtrunc.f32 v13;
	v20 =	vtrunc.f32 v20  }
0x12c: {  	v19 =	vcvt.f32.s32 v8;
	v13 =	vcvt.f32.s32 v13  }
0x12d: {  	v25 =	vcvt.f32.s32 v20;
	v11 =	vcvt.s32.f32 v4;
	v8 =	vmin.f32 v5, $8.191000000e+03  }
0x12e: {  	v15 =	vmin.f32 v7, $8.191000000e+03;
	v8 =	vtrunc.f32 v8;
	v18 =	vcvt.s32.f32 v19  }
0x12f: {  	v15 =	vtrunc.f32 v15;
	v17 =	vadd.f32 $1.000000000e+00, v11;
	v24 =	vcvt.f32.s32 v8  }
0x130: {  	v23 =	vcvt.f32.s32 v15;
	v11 =	vsub.f32 v14, v11;
	v8 =	vsub.f32 v9, v18  }
0x131: {  	v26 =	vadd.f32 $1.000000000e+00, v18;
	v18 =	vcvt.s32.f32 v21;
	v17 =	vmin.f32 v17, $8.191000000e+03  }
0x132: {  	v15 =	vcvt.s32.f32 v24;
	v16 =	vsub.f32 v17, v14;
	v14 =	vcvt.s32.f32 v13  }
0x133: {  	s12 =	sshll.u32 s6, $0x4;
	v22 =	vtrunc.f32 v17;
	v26 =	vmin.f32 v26, $8.191000000e+03;
	v20 =	vld.idx.msk [tilespmem:v19+s19+$0x0], $0xffff;
	v28 =	vadd.f32 $1.000000000e+00, v18  }
0x134: {  	s30 =	simm.s32 $0xC0C0;
	s10 =	sand.u32 $0x60, s12;
	s12 =	simm.s32 $0xA040;
	v17 =	vcvt.f32.s32 v22;
	v22 =	vld.idx.msk [tilespmem:v4+s19+$0x0], $0xffff;
	v27 =	vtrunc.f32 v26;
	v19 =	vadd.f32 $1.000000000e+00, v14  }
0x135: {  	s9 =	sor.u32 s7, s6;
	s6 =	simm.s32 $0x0;
	s11 =	simm.s32 $0xA040;
	v4 =	vsub.f32 v0, v14;
	v14 =	vld.idx.msk [tilespmem:v24+s19+$0x0], $0xffff;
	v24 =	vcvt.f32.s32 v27;
	v27 =	vcvt.s32.f32 v25  }
.LBB2_7:
0x136: {  	s6 =	sadd.s32 $0x80, s6;
	v10 =	vcvt.f32.s32 v10;
	v18 =	vsub.f32 v12, v18;
	v9 =	vsub.f32 v26, v9;
	v25 =	vld.idx.msk [tilespmem:v25+s19+$0x0], $0xffff;
	s12 =	sadd.s32 $0x80, s12  }
0x137: {  	v29 =	vadd.f32 $1.000000000e+00, v15;
	v26 =	vld [tilespmem:s30+$0x10];
	p2 =	slt.u32 s6, $0xF80;
	v28 =	vmin.f32 v28, $8.191000000e+03;
	v30 =	vadd.f32 $1.000000000e+00, v27  }
0x138: {  	v32 =	vcvt.s32.f32 v23;
	v27 =	vsub.f32 v6, v27;
	v31 =	vld [tilespmem:s30+$0xFFFFFFC0];
	v12 =	vsub.f32 v28, v12  }
0x139: {  	v33 =	vcvt.s32.f32 v10;
	v29 =	vmin.f32 v29, $8.191000000e+03;
	v23 =	vld.idx.msk [tilespmem:v23+s19+$0x0], $0xffff;
	v30 =	vmin.f32 v30, $8.191000000e+03  }
0x13a: {  	v34 =	vadd.f32 $1.000000000e+00, v32;
	v21 =	vld.idx.msk [tilespmem:v21+s19+$0x0], $0xffff;
	v35 =	vtrunc.f32 v30;
	v30 =	vsub.f32 v30, v6  }
0x13b: {  	v32 =	vsub.f32 v7, v32;
	v36 =	vtrunc.f32 v29;
	v6 =	vld [tilespmem:s30+$0x30];
	v35 =	vcvt.f32.s32 v35  }
0x13c: {  	v16 =	vmul.f32 v16, v22;
	v37 =	vadd.f32 $1.000000000e+00, v33;
	v38 =	vld.idx.msk [tilespmem:v10+s19+$0x0], $0xffff;
	v10 =	vtrunc.f32 v28  }
0x13d: {  	v28 =	vsub.f32 v1, v33;
	v22 =	vmul.f32 v31, v2;
	v31 =	vmin.f32 v34, $8.191000000e+03;
	v24 =	vld.idx.msk [tilespmem:v24+s19+$0x0], $0xffff  }
0x13e: {  	v20 =	vmul.f32 v9, v20;
	v34 =	vmin.f32 v37, $8.191000000e+03;
	v33 =	vld [tilespmem:s30+$0xFFFFFFD0];
	v7 =	vsub.f32 v31, v7  }
0x13f: {  	v9 =	vadd.f32 v22, v3;
	v22 =	vmul.f32 v26, v2;
	v17 =	vld.idx.msk [tilespmem:v17+s19+$0x0], $0xffff;
	v26 =	vcvt.f32.s32 v10  }
0x140: {  	v36 =	vcvt.f32.s32 v36;
	v39 =	vsub.f32 v34, v1;
	v31 =	vtrunc.f32 v31;
	v37 =	vld [tilespmem:s30+$0x20]  }
0x141: {  	v6 =	vmul.f32 v6, v2;
	v23 =	vmul.f32 v7, v23;
	v10 =	vmin.f32 v9, $8.191000000e+03;
	v40 =	vld [tilespmem:s30+$0xFFFFFFF0];
	v1 =	vmovc v9  }
0x142: {  	v15 =	vsub.f32 v5, v15;
	v31 =	vcvt.f32.s32 v31;
	v10 =	vtrunc.f32 v10;
	v7 =	vld [tilespmem:s30+$0x0]  }
0x143: {  	v21 =	vmul.f32 v12, v21;
	v9 =	vtrunc.f32 v34;
	v6 =	vadd.f32 v6, v3  }
0x144: {  	v19 =	vmin.f32 v19, $8.191000000e+03;
	v30 =	vmul.f32 v30, v25;
	v34 =	vmul.f32 v39, v38;
	v12 =	vld [tilespmem:s30+$0xFFFFFFE0]  }
0x145: {  	v5 =	vsub.f32 v29, v5;
	v25 =	vmul.f32 v37, v2;
	v37 =	vcvt.f32.s32 v9  }
0x146: {  	v8 =	vmul.f32 v8, v24;
	v29 =	vmul.f32 v33, v2;
	v9 =	vadd.f32 v22, v3;
	v13 =	vld.idx.msk [tilespmem:v13+s19+$0x0], $0xffff  }
0x147: {  	v22 =	vmul.f32 v40, v2;
	v24 =	vadd.f32 v25, v3;
	v25 =	vtrunc.f32 v19;
	v33 =	vld.idx.msk [tilespmem:v35+s19+$0x0], $0xffff  }
0x148: {  	v14 =	vmul.f32 v5, v14;
	v11 =	vmul.f32 v11, v17;
	v29 =	vadd.f32 v29, v3;
	v17 =	vld.idx.msk [tilespmem:v36+s19+$0x0], $0xffff  }
0x149: {  	v8 =	vadd.f32 v20, v8;
	v5 =	vmul.f32 v7, v2;
	v35 =	vmin.f32 v9, $8.191000000e+03;
	v26 =	vld.idx.msk [tilespmem:v26+s19+$0x0], $0xffff  }
0x14a: {  	v19 =	vsub.f32 v19, v0;
	v7 =	vadd.f32 v22, v3;
	v20 =	vmin.f32 v24, $8.191000000e+03;
	v0 =	vmovc v24  }
0x14b: {  	v22 =	vmul.f32 v12, v2;
	v12 =	vadd.f32 v5, v3;
	v24 =	vld.idx.msk [tilespmem:v37+s19+$0x0], $0xffff;
	[tilespmem:s11+$0x10] =	vst v8;
	v8 =	vcvt.f32.s32 v25  }
0x14c: {  	v36 =	vmin.f32 v7, $8.191000000e+03;
	v25 =	vtrunc.f32 v35;
	v19 =	vmul.f32 v19, v13  }
0x14d: {  	v5 =	vmin.f32 v29, $8.191000000e+03;
	v13 =	vtrunc.f32 v20;
	v27 =	vmul.f32 v27, v33;
	v20 =	vld.idx.msk [tilespmem:v31+s19+$0x0], $0xffff  }
0x14e: {  	v31 =	vtrunc.f32 v5;
	v5 =	vadd.f32 v22, v3;
	v22 =	vmin.f32 v12, $8.191000000e+03  }
0x14f: {  	v11 =	vadd.f32 v16, v11;
	v15 =	vmul.f32 v15, v17;
	v31 =	vcvt.f32.s32 v31  }
0x150: {  	v33 =	vcvt.f32.s32 v25;
	v17 =	vmul.f32 v18, v26;
	v16 =	vmin.f32 v5, $8.191000000e+03  }
0x151: {  	v18 =	vtrunc.f32 v22;
	v22 =	vmul.f32 v28, v24;
	[tilespmem:s11+$0xFFFFFFD0] =	vst v11;
	v11 =	vadd.f32 v14, v15;
	v14 =	vld.idx.msk [tilespmem:v8+s19+$0x0], $0xffff  }
0x152: {  	v15 =	vcvt.s32.f32 v31;
	v8 =	vtrunc.f32 v16;
	v16 =	vadd.f32 v21, v17  }
0x153: {  	v17 =	vcvt.s32.f32 v33;
	v21 =	vmin.f32 v6, $8.191000000e+03;
	v22 =	vadd.f32 v34, v22  }
0x154: {  	v25 =	vtrunc.f32 v21;
	v20 =	vmul.f32 v32, v20;
	v24 =	vadd.f32 $1.000000000e+00, v15;
	[tilespmem:s11+$0x0] =	vst v16  }
0x155: {  	v28 =	vcvt.f32.s32 v8;
	v21 =	vcvt.f32.s32 v18;
	v8 =	vsub.f32 v9, v17;
	[tilespmem:s11+$0xFFFFFFC0] =	vst v22  }
0x156: {  	v16 =	vmin.f32 v24, $8.191000000e+03;
	v22 =	vadd.f32 $1.000000000e+00, v17;
	[tilespmem:s11+$0xFFFFFFE0] =	vst v11;
	v11 =	vadd.f32 v23, v20  }
0x157: {  	v13 =	vcvt.f32.s32 v13;
	v17 =	vtrunc.f32 v16;
	v16 =	vsub.f32 v16, v29  }
0x158: {  	v25 =	vcvt.f32.s32 v25;
	v4 =	vmul.f32 v4, v14;
	v14 =	vadd.f32 v30, v27;
	[tilespmem:s11+$0xFFFFFFF0] =	vst v11  }
.Ltmp4:
0x159: {  	v17 =	vcvt.f32.s32 v17;
	v11 =	vsub.f32 v29, v15;
	v15 =	vtrunc.f32 v36;
	(pc) =	sbr.rel @p2 .LBB2_7-.Ltmp4, $4  }
0x15a: {  	v24 =	vcvt.s32.f32 v13;
	v27 =	vadd.f32 v19, v4;
	v23 =	vcvt.f32.s32 v15;
	[tilespmem:s11+$0x30] =	vst v14  }
0x15b: {  	v18 =	vcvt.s32.f32 v21;
	v26 =	vmin.f32 v22, $8.191000000e+03;
	v15 =	vcvt.s32.f32 v28;
	v20 =	vld.idx.msk [tilespmem:v33+s19+$0x0], $0xffff  }
0x15c: {  	v29 =	vtrunc.f32 v26;
	v19 =	vadd.f32 $1.000000000e+00, v24;
	v4 =	vsub.f32 v0, v24;
	v22 =	vld.idx.msk [tilespmem:v31+s19+$0x0], $0xffff;
	[tilespmem:s11+$0x20] =	vst v27;
	s11 =	smov.u32 s12  }
0x15d: {  	s30 =	sadd.s32 $0x80, s30;
	v24 =	vcvt.f32.s32 v29;
	v27 =	vcvt.s32.f32 v25;
	v14 =	vld.idx.msk [tilespmem:v28+s19+$0x0], $0xffff;
	v28 =	vadd.f32 $1.000000000e+00, v18  }
0x15e: {  	v2 =	vcvt.f32.s32 v10;
	_ =	sdelay $0x1  }
0x15f: {  	v3 =	vcvt.s32.f32 v2;
	_ =	sdelay $0x1  }
0x160: {  	v10 =	vcvt.s32.f32 v23;
	v29 =	vadd.f32 $1.000000000e+00, v3  }
0x161: {  	v30 =	vadd.f32 $1.000000000e+00, v15;
	v28 =	vmin.f32 v28, $8.191000000e+03;
	v31 =	vadd.f32 $1.000000000e+00, v27  }
0x162: {  	v25 =	vld.idx.msk [tilespmem:v25+s19+$0x0], $0xffff;
	v32 =	vadd.f32 $1.000000000e+00, v10;
	v33 =	vtrunc.f32 v28;
	v29 =	vmin.f32 v29, $8.191000000e+03  }
0x163: {  	v23 =	vld.idx.msk [tilespmem:v23+s19+$0x0], $0xffff;
	v30 =	vmin.f32 v30, $8.191000000e+03;
	v33 =	vcvt.f32.s32 v33;
	v34 =	vtrunc.f32 v29  }
0x164: {  	v21 =	vld.idx.msk [tilespmem:v21+s19+$0x0], $0xffff;
	v35 =	vtrunc.f32 v30;
	v32 =	vmin.f32 v32, $8.191000000e+03;
	v34 =	vcvt.f32.s32 v34  }
0x165: {  	v17 =	vld.idx.msk [tilespmem:v17+s19+$0x0], $0xffff;
	v31 =	vmin.f32 v31, $8.191000000e+03;
	v35 =	vcvt.f32.s32 v35;
	v36 =	vtrunc.f32 v32  }
0x166: {  	v19 =	vmin.f32 v19, $8.191000000e+03;
	v13 =	vld.idx.msk [tilespmem:v13+s19+$0x0], $0xffff;
	v37 =	vtrunc.f32 v31;
	v36 =	vcvt.f32.s32 v36  }
0x167: {  	v9 =	vsub.f32 v26, v9;
	v24 =	vld.idx.msk [tilespmem:v24+s19+$0x0], $0xffff;
	v62 =	vtrunc.f32 v19;
	v26 =	vcvt.f32.s32 v37  }
0x168: {  	v18 =	vsub.f32 v12, v18;
	v12 =	vsub.f32 v28, v12;
	v28 =	vcvt.f32.s32 v62;
	v2 =	vld.idx.msk [tilespmem:v2+s19+$0x0], $0xffff  }
0x169: {  	v27 =	vsub.f32 v6, v27;
	v6 =	vsub.f32 v31, v6;
	v31 =	vld.idx.msk [tilespmem:v33+s19+$0x0], $0xffff  }
0x16a: {  	v15 =	vsub.f32 v5, v15;
	v0 =	vsub.f32 v19, v0;
	v63 =	vld.idx.msk [tilespmem:v34+s19+$0x0], $0xffff  }
0x16b: {  	v10 =	vsub.f32 v7, v10;
	v9 =	vmul.f32 v9, v20;
	v16 =	vmul.f32 v16, v22;
	v20 =	vld.idx.msk [tilespmem:v35+s19+$0x0], $0xffff  }
0x16c: {  	v5 =	vsub.f32 v30, v5;
	v3 =	vsub.f32 v1, v3;
	v8 =	vmul.f32 v8, v24;
	v22 =	vld.idx.msk [tilespmem:v36+s19+$0x0], $0xffff  }
0x16d: {  	v12 =	vmul.f32 v12, v21;
	v11 =	vmul.f32 v11, v17;
	v1 =	vsub.f32 v29, v1;
	v21 =	vld.idx.msk [tilespmem:v26+s19+$0x0], $0xffff  }
0x16e: {  	v7 =	vsub.f32 v32, v7;
	v8 =	vadd.f32 v9, v8;
	v17 =	vld.idx.msk [tilespmem:v28+s19+$0x0], $0xffff;
	v9 =	vmul.f32 v18, v31  }
0x16f: {  	v1 =	vmul.f32 v1, v2;
	v2 =	vadd.f32 v16, v11;
	v3 =	vmul.f32 v3, v63  }
0x170: {  	v5 =	vmul.f32 v5, v14;
	[tilespmem:s11+$0x10] =	vst v8;
	v8 =	vmul.f32 v15, v20;
	v9 =	vadd.f32 v12, v9  }
0x171: {  	v7 =	vmul.f32 v7, v23;
	[tilespmem:s11+$0xFFFFFFD0] =	vst v2;
	v2 =	vmul.f32 v10, v22;
	v1 =	vadd.f32 v1, v3  }
0x172: {  	v5 =	vadd.f32 v5, v8;
	[tilespmem:s11+$0x0] =	vst v9;
	v3 =	vmul.f32 v6, v25;
	v6 =	vmul.f32 v27, v21  }
0x173: {  	v0 =	vmul.f32 v0, v13;
	[tilespmem:s11+$0xFFFFFFC0] =	vst v1;
	v1 =	vadd.f32 v7, v2;
	v2 =	vmul.f32 v4, v17  }
0x174: {  	[tilespmem:s11+$0xFFFFFFE0] =	vst v5;
	v3 =	vadd.f32 v3, v6  }
0x175: {  	s6 =	sshll.u32 s9, $0x9;
	[tilespmem:s11+$0xFFFFFFF0] =	vst v1;
	v0 =	vadd.f32 v0, v2  }
0x176: {  	s10 =	sadd.s32 s3, s10;
	s6 =	sand.u32 $0xFFFF000, s6;
	[tilespmem:s11+$0x30] =	vst v3  }
0x177: {  	s6 =	sadd.s32 s6, s10;
	[tilespmem:s11+$0x20] =	vst v0  }
0x178: {  	[hbm4b:s6+s16] =	stream.strided.scatter [tilespmem:s26], [sflag:$0x7], $0x1000, s17, s16, $0x38;
	[tilespmem:$0xD080] =	vst v63  }
0x179: {  	s6 =	sadd.s32 @!p1 $0x4, s9  }
0x17a: {  	s9 =	sshll.u32 @!p1 s6, $0x4  }
0x17b: {  	s10 =	simm.s32 @!p1 $0x80;
	s6 =	sshll.u32 @!p1 s6, $0xA;
	s9 =	sand.u32 @!p1 $0x60, s9  }
0x17c: {  	s11 =	simm.s32 @!p1 $0x4000;
	s6 =	sand.u32 @!p1 $0xFFFE000, s6;
	s9 =	sadd.s32 @!p1 s1, s9  }
0x17d: {  	s9 =	sadd.s32 @!p1 s6, s9;
	s6 =	sor.u32 $0x3, s8;
	s8 =	simm.s32 @!p1 $0x400  }
0x17e: {  	[tilespmem:s11], [sflag:$0x3] =	stream.strided.gather @!p1 [hbm4b:s9+s10], $0x2000, s8, s10, $0x38;
	[tilespmem:$0xD080] =	vst v63  }
0x17f: {  	s11 =	sshllo.u32 s6, $0x1;
	_ =	swait.ge [sflag:s28], $0x2000  }
0x180: {  	s12 =	sshll.u32 s6, $0x1;
	v1 =	vmov s11;
	[sflag:s28] =	ssyncset.done $0x0  }
0x181: {  	s9 =	simm.s32 @!p0 $0x8;
	v0 =	vmov s12;
	[sflag:s28] =	ssyncadd.s32 $0xFFFFE000  }
0x182: {  	v0 =	vbroadcast v0, $0x0;
	_ =	swait.ge @!p0 [sflag:s9], $0x1000  }
0x183: {  	[sflag:s9] =	ssyncset.done @!p0 $0x0  }
0x184: {  	[sflag:s9] =	ssyncadd.s32 @!p0 $0xFFFFF000  }
0x185: {  	s12 =	simm.s32 $0xC040;
	v1 =	vld.idx.msk [tilespmem:v1+s15+$0x0], $0xffff  }
0x186: {  	v4 =	vld [tilespmem:s12+$0xFFFFFFC0]  }
0x187: {  	v5 =	vld [tilespmem:s12+$0x10]  }
0x188: {  	v0 =	vld.idx.msk [tilespmem:v0+s15+$0x0], $0xffff  }
0x189: {  	v6 =	vld [tilespmem:s12+$0xFFFFFFD0]  }
0x18a: {  	v8 =	vld [tilespmem:s12+$0x0]  }
0x18b: {  	v7 =	vld [tilespmem:s12+$0x20]  }
0x18c: {  	v11 =	vld [tilespmem:s12+$0xFFFFFFE0]  }
0x18d: {  	v2 =	vmul.f32 $4.096000000e+03, v0;
	v0 =	vld [tilespmem:s12+$0x30]  }
0x18e: {  	v3 =	vmul.f32 $4.096000000e+03, v1  }
0x18f: {  	v1 =	vmul.f32 v4, v2;
	v4 =	vld [tilespmem:s12+$0xFFFFFFF0];
	v8 =	vmul.f32 v8, v2  }
0x190: {  	v6 =	vmul.f32 v6, v2;
	v5 =	vmul.f32 v5, v2  }
0x191: {  	v7 =	vmul.f32 v7, v2;
	v1 =	vadd.f32 v1, v3;
	v12 =	vadd.f32 v8, v3  }
0x192: {  	v11 =	vmul.f32 v11, v2;
	v0 =	vmul.f32 v0, v2  }
0x193: {  	v14 =	vadd.f32 v6, v3;
	v9 =	vmin.f32 v1, $8.191000000e+03;
	v16 =	vmin.f32 v12, $8.191000000e+03  }
0x194: {  	v10 =	vtrunc.f32 v9;
	v6 =	vadd.f32 v0, v3;
	v4 =	vmul.f32 v4, v2  }
0x195: {  	v9 =	vadd.f32 v5, v3;
	v0 =	vadd.f32 v7, v3;
	v16 =	vtrunc.f32 v16  }
0x196: {  	v5 =	vmin.f32 v14, $8.191000000e+03;
	v21 =	vcvt.f32.s32 v16;
	v7 =	vadd.f32 v4, v3  }
0x197: {  	v4 =	vtrunc.f32 v5;
	v5 =	vmin.f32 v9, $8.191000000e+03;
	v13 =	vmin.f32 v0, $8.191000000e+03  }
0x198: {  	v20 =	vmin.f32 v6, $8.191000000e+03;
	v4 =	vcvt.f32.s32 v4;
	v8 =	vtrunc.f32 v5  }
0x199: {  	v5 =	vadd.f32 v11, v3;
	v13 =	vtrunc.f32 v13;
	v20 =	vtrunc.f32 v20  }
0x19a: {  	v19 =	vcvt.f32.s32 v8;
	v13 =	vcvt.f32.s32 v13  }
0x19b: {  	v25 =	vcvt.f32.s32 v20;
	v11 =	vcvt.s32.f32 v4;
	v8 =	vmin.f32 v5, $8.191000000e+03  }
0x19c: {  	v15 =	vmin.f32 v7, $8.191000000e+03;
	v8 =	vtrunc.f32 v8;
	v18 =	vcvt.s32.f32 v19  }
0x19d: {  	v15 =	vtrunc.f32 v15;
	v17 =	vadd.f32 $1.000000000e+00, v11;
	v24 =	vcvt.f32.s32 v8  }
0x19e: {  	v23 =	vcvt.f32.s32 v15;
	v11 =	vsub.f32 v14, v11;
	v8 =	vsub.f32 v9, v18  }
0x19f: {  	v26 =	vadd.f32 $1.000000000e+00, v18;
	v18 =	vcvt.s32.f32 v21;
	v17 =	vmin.f32 v17, $8.191000000e+03  }
0x1a0: {  	v15 =	vcvt.s32.f32 v24;
	v16 =	vsub.f32 v17, v14;
	v14 =	vcvt.s32.f32 v13  }
0x1a1: {  	s30 =	sshll.u32 s6, $0x4;
	v22 =	vtrunc.f32 v17;
	v26 =	vmin.f32 v26, $8.191000000e+03;
	v20 =	vld.idx.msk [tilespmem:v19+s20+$0x0], $0xffff;
	v28 =	vadd.f32 $1.000000000e+00, v18  }
0x1a2: {  	s8 =	sor.u32 s7, s6;
	s6 =	simm.s32 $0x0;
	s10 =	simm.s32 $0xB040;
	v17 =	vcvt.f32.s32 v22;
	v22 =	vld.idx.msk [tilespmem:v4+s20+$0x0], $0xffff;
	v27 =	vtrunc.f32 v26;
	v19 =	vadd.f32 $1.000000000e+00, v14  }
0x1a3: {  	s11 =	simm.s32 $0xB040;
	s9 =	sand.u32 $0x70, s30;
	s12 =	simm.s32 $0xC0C0;
	v4 =	vsub.f32 v0, v14;
	v14 =	vld.idx.msk [tilespmem:v24+s20+$0x0], $0xffff;
	v24 =	vcvt.f32.s32 v27;
	v27 =	vcvt.s32.f32 v25  }
.LBB2_9:
0x1a4: {  	s6 =	sadd.s32 $0x80, s6;
	v10 =	vcvt.f32.s32 v10;
	v18 =	vsub.f32 v12, v18;
	v9 =	vsub.f32 v26, v9;
	v25 =	vld.idx.msk [tilespmem:v25+s20+$0x0], $0xffff;
	s11 =	sadd.s32 $0x80, s11  }
0x1a5: {  	v29 =	vadd.f32 $1.000000000e+00, v15;
	v26 =	vld [tilespmem:s12+$0x10];
	p0 =	slt.u32 s6, $0xF80;
	v28 =	vmin.f32 v28, $8.191000000e+03;
	v30 =	vadd.f32 $1.000000000e+00, v27  }
0x1a6: {  	v32 =	vcvt.s32.f32 v23;
	v27 =	vsub.f32 v6, v27;
	v31 =	vld [tilespmem:s12+$0xFFFFFFC0];
	v12 =	vsub.f32 v28, v12  }
0x1a7: {  	v33 =	vcvt.s32.f32 v10;
	v29 =	vmin.f32 v29, $8.191000000e+03;
	v23 =	vld.idx.msk [tilespmem:v23+s20+$0x0], $0xffff;
	v30 =	vmin.f32 v30, $8.191000000e+03  }
0x1a8: {  	v34 =	vadd.f32 $1.000000000e+00, v32;
	v21 =	vld.idx.msk [tilespmem:v21+s20+$0x0], $0xffff;
	v35 =	vtrunc.f32 v30;
	v30 =	vsub.f32 v30, v6  }
0x1a9: {  	v32 =	vsub.f32 v7, v32;
	v36 =	vtrunc.f32 v29;
	v6 =	vld [tilespmem:s12+$0x30];
	v35 =	vcvt.f32.s32 v35  }
0x1aa: {  	v16 =	vmul.f32 v16, v22;
	v37 =	vadd.f32 $1.000000000e+00, v33;
	v38 =	vld.idx.msk [tilespmem:v10+s20+$0x0], $0xffff;
	v10 =	vtrunc.f32 v28  }
0x1ab: {  	v28 =	vsub.f32 v1, v33;
	v22 =	vmul.f32 v31, v2;
	v31 =	vmin.f32 v34, $8.191000000e+03;
	v24 =	vld.idx.msk [tilespmem:v24+s20+$0x0], $0xffff  }
0x1ac: {  	v20 =	vmul.f32 v9, v20;
	v34 =	vmin.f32 v37, $8.191000000e+03;
	v33 =	vld [tilespmem:s12+$0xFFFFFFD0];
	v7 =	vsub.f32 v31, v7  }
0x1ad: {  	v9 =	vadd.f32 v22, v3;
	v22 =	vmul.f32 v26, v2;
	v17 =	vld.idx.msk [tilespmem:v17+s20+$0x0], $0xffff;
	v26 =	vcvt.f32.s32 v10  }
0x1ae: {  	v36 =	vcvt.f32.s32 v36;
	v39 =	vsub.f32 v34, v1;
	v31 =	vtrunc.f32 v31;
	v37 =	vld [tilespmem:s12+$0x20]  }
0x1af: {  	v6 =	vmul.f32 v6, v2;
	v23 =	vmul.f32 v7, v23;
	v10 =	vmin.f32 v9, $8.191000000e+03;
	v40 =	vld [tilespmem:s12+$0xFFFFFFF0];
	v1 =	vmovc v9  }
0x1b0: {  	v15 =	vsub.f32 v5, v15;
	v31 =	vcvt.f32.s32 v31;
	v10 =	vtrunc.f32 v10;
	v7 =	vld [tilespmem:s12+$0x0]  }
0x1b1: {  	v21 =	vmul.f32 v12, v21;
	v9 =	vtrunc.f32 v34;
	v6 =	vadd.f32 v6, v3  }
0x1b2: {  	v19 =	vmin.f32 v19, $8.191000000e+03;
	v30 =	vmul.f32 v30, v25;
	v34 =	vmul.f32 v39, v38;
	v12 =	vld [tilespmem:s12+$0xFFFFFFE0]  }
0x1b3: {  	v5 =	vsub.f32 v29, v5;
	v25 =	vmul.f32 v37, v2;
	v37 =	vcvt.f32.s32 v9  }
0x1b4: {  	v8 =	vmul.f32 v8, v24;
	v29 =	vmul.f32 v33, v2;
	v9 =	vadd.f32 v22, v3;
	v13 =	vld.idx.msk [tilespmem:v13+s20+$0x0], $0xffff  }
0x1b5: {  	v22 =	vmul.f32 v40, v2;
	v24 =	vadd.f32 v25, v3;
	v25 =	vtrunc.f32 v19;
	v33 =	vld.idx.msk [tilespmem:v35+s20+$0x0], $0xffff  }
0x1b6: {  	v14 =	vmul.f32 v5, v14;
	v11 =	vmul.f32 v11, v17;
	v29 =	vadd.f32 v29, v3;
	v17 =	vld.idx.msk [tilespmem:v36+s20+$0x0], $0xffff  }
0x1b7: {  	v8 =	vadd.f32 v20, v8;
	v5 =	vmul.f32 v7, v2;
	v35 =	vmin.f32 v9, $8.191000000e+03;
	v26 =	vld.idx.msk [tilespmem:v26+s20+$0x0], $0xffff  }
0x1b8: {  	v19 =	vsub.f32 v19, v0;
	v7 =	vadd.f32 v22, v3;
	v20 =	vmin.f32 v24, $8.191000000e+03;
	v0 =	vmovc v24  }
0x1b9: {  	v22 =	vmul.f32 v12, v2;
	v12 =	vadd.f32 v5, v3;
	v24 =	vld.idx.msk [tilespmem:v37+s20+$0x0], $0xffff;
	[tilespmem:s10+$0x10] =	vst v8;
	v8 =	vcvt.f32.s32 v25  }
0x1ba: {  	v36 =	vmin.f32 v7, $8.191000000e+03;
	v25 =	vtrunc.f32 v35;
	v19 =	vmul.f32 v19, v13  }
0x1bb: {  	v5 =	vmin.f32 v29, $8.191000000e+03;
	v13 =	vtrunc.f32 v20;
	v27 =	vmul.f32 v27, v33;
	v20 =	vld.idx.msk [tilespmem:v31+s20+$0x0], $0xffff  }
0x1bc: {  	v31 =	vtrunc.f32 v5;
	v5 =	vadd.f32 v22, v3;
	v22 =	vmin.f32 v12, $8.191000000e+03  }
0x1bd: {  	v11 =	vadd.f32 v16, v11;
	v15 =	vmul.f32 v15, v17;
	v31 =	vcvt.f32.s32 v31  }
0x1be: {  	v33 =	vcvt.f32.s32 v25;
	v17 =	vmul.f32 v18, v26;
	v16 =	vmin.f32 v5, $8.191000000e+03  }
0x1bf: {  	v18 =	vtrunc.f32 v22;
	v22 =	vmul.f32 v28, v24;
	[tilespmem:s10+$0xFFFFFFD0] =	vst v11;
	v11 =	vadd.f32 v14, v15;
	v14 =	vld.idx.msk [tilespmem:v8+s20+$0x0], $0xffff  }
0x1c0: {  	v15 =	vcvt.s32.f32 v31;
	v8 =	vtrunc.f32 v16;
	v16 =	vadd.f32 v21, v17  }
0x1c1: {  	v17 =	vcvt.s32.f32 v33;
	v21 =	vmin.f32 v6, $8.191000000e+03;
	v22 =	vadd.f32 v34, v22  }
0x1c2: {  	v25 =	vtrunc.f32 v21;
	v20 =	vmul.f32 v32, v20;
	v24 =	vadd.f32 $1.000000000e+00, v15;
	[tilespmem:s10+$0x0] =	vst v16  }
0x1c3: {  	v28 =	vcvt.f32.s32 v8;
	v21 =	vcvt.f32.s32 v18;
	v8 =	vsub.f32 v9, v17;
	[tilespmem:s10+$0xFFFFFFC0] =	vst v22  }
0x1c4: {  	v16 =	vmin.f32 v24, $8.191000000e+03;
	v22 =	vadd.f32 $1.000000000e+00, v17;
	[tilespmem:s10+$0xFFFFFFE0] =	vst v11;
	v11 =	vadd.f32 v23, v20  }
0x1c5: {  	v13 =	vcvt.f32.s32 v13;
	v17 =	vtrunc.f32 v16;
	v16 =	vsub.f32 v16, v29  }
0x1c6: {  	v25 =	vcvt.f32.s32 v25;
	v4 =	vmul.f32 v4, v14;
	v14 =	vadd.f32 v30, v27;
	[tilespmem:s10+$0xFFFFFFF0] =	vst v11  }
.Ltmp5:
0x1c7: {  	v17 =	vcvt.f32.s32 v17;
	v11 =	vsub.f32 v29, v15;
	v15 =	vtrunc.f32 v36;
	(pc) =	sbr.rel @p0 .LBB2_9-.Ltmp5, $4  }
0x1c8: {  	v24 =	vcvt.s32.f32 v13;
	v27 =	vadd.f32 v19, v4;
	v23 =	vcvt.f32.s32 v15;
	[tilespmem:s10+$0x30] =	vst v14  }
0x1c9: {  	v18 =	vcvt.s32.f32 v21;
	v26 =	vmin.f32 v22, $8.191000000e+03;
	v15 =	vcvt.s32.f32 v28;
	v20 =	vld.idx.msk [tilespmem:v33+s20+$0x0], $0xffff  }
0x1ca: {  	v29 =	vtrunc.f32 v26;
	v19 =	vadd.f32 $1.000000000e+00, v24;
	v4 =	vsub.f32 v0, v24;
	v22 =	vld.idx.msk [tilespmem:v31+s20+$0x0], $0xffff;
	[tilespmem:s10+$0x20] =	vst v27;
	s10 =	smov.u32 s11  }
0x1cb: {  	s12 =	sadd.s32 $0x80, s12;
	v24 =	vcvt.f32.s32 v29;
	v27 =	vcvt.s32.f32 v25;
	v14 =	vld.idx.msk [tilespmem:v28+s20+$0x0], $0xffff;
	v28 =	vadd.f32 $1.000000000e+00, v18  }
0x1cc: {  	_ = 	snop  }
0x1cd: {  	v2 =	vcvt.f32.s32 v10  }
0x1ce: {  	v62 =	vcvt.s32.f32 v23;
	v30 =	vadd.f32 $1.000000000e+00, v15;
	v19 =	vmin.f32 v19, $8.191000000e+03  }
0x1cf: {  	v28 =	vmin.f32 v28, $8.191000000e+03;
	v31 =	vadd.f32 $1.000000000e+00, v27;
	v3 =	vcvt.s32.f32 v2  }
0x1d0: {  	v25 =	vld.idx.msk [tilespmem:v25+s20+$0x0], $0xffff;
	v41 =	vtrunc.f32 v19;
	v32 =	vadd.f32 $1.000000000e+00, v62;
	v33 =	vtrunc.f32 v28  }
0x1d1: {  	v63 =	vld.idx.msk [tilespmem:v23+s20+$0x0], $0xffff;
	v30 =	vmin.f32 v30, $8.191000000e+03;
	v43 =	vcvt.f32.s32 v41;
	v29 =	vadd.f32 $1.000000000e+00, v3  }
0x1d2: {  	v21 =	vld.idx.msk [tilespmem:v21+s20+$0x0], $0xffff;
	v33 =	vcvt.f32.s32 v33;
	v35 =	vtrunc.f32 v30;
	v32 =	vmin.f32 v32, $8.191000000e+03  }
0x1d3: {  	v17 =	vld.idx.msk [tilespmem:v17+s20+$0x0], $0xffff;
	v35 =	vcvt.f32.s32 v35;
	v36 =	vtrunc.f32 v32;
	v29 =	vmin.f32 v29, $8.191000000e+03  }
0x1d4: {  	v13 =	vld.idx.msk [tilespmem:v13+s20+$0x0], $0xffff;
	v31 =	vmin.f32 v31, $8.191000000e+03;
	v36 =	vcvt.f32.s32 v36;
	v34 =	vtrunc.f32 v29  }
0x1d5: {  	v9 =	vsub.f32 v26, v9;
	v24 =	vld.idx.msk [tilespmem:v24+s20+$0x0], $0xffff;
	v37 =	vtrunc.f32 v31;
	v34 =	vcvt.f32.s32 v34  }
0x1d6: {  	v18 =	vsub.f32 v12, v18;
	v52 =	vsub.f32 v5, v15;
	v40 =	vcvt.f32.s32 v37;
	v2 =	vld.idx.msk [tilespmem:v2+s20+$0x0], $0xffff  }
0x1d7: {  	v44 =	vsub.f32 v6, v27;
	v0 =	vsub.f32 v19, v0;
	v56 =	vld.idx.msk [tilespmem:v43+s20+$0x0], $0xffff  }
0x1d8: {  	v42 =	vsub.f32 v28, v12;
	v10 =	vsub.f32 v7, v62;
	v46 =	vld.idx.msk [tilespmem:v33+s20+$0x0], $0xffff  }
0x1d9: {  	v9 =	vmul.f32 v9, v20;
	v16 =	vmul.f32 v16, v22;
	v54 =	vsub.f32 v30, v5;
	v49 =	vld.idx.msk [tilespmem:v35+s20+$0x0], $0xffff  }
0x1da: {  	v47 =	vsub.f32 v32, v7;
	v12 =	vmul.f32 v42, v21;
	v11 =	vmul.f32 v11, v17;
	v51 =	vld.idx.msk [tilespmem:v36+s20+$0x0], $0xffff  }
0x1db: {  	v3 =	vsub.f32 v1, v3;
	v0 =	vmul.f32 v0, v13;
	v8 =	vmul.f32 v8, v24;
	v48 =	vld.idx.msk [tilespmem:v34+s20+$0x0], $0xffff  }
0x1dc: {  	v7 =	vmul.f32 v47, v63;
	v57 =	vadd.f32 v16, v11;
	v53 =	vld.idx.msk [tilespmem:v40+s20+$0x0], $0xffff;
	v63 =	vmul.f32 v4, v56  }
0x1dd: {  	v5 =	vmul.f32 v54, v14;
	v8 =	vadd.f32 v9, v8;
	v55 =	vmul.f32 v18, v46  }
0x1de: {  	v50 =	vsub.f32 v29, v1;
	[tilespmem:s10+$0xFFFFFFD0] =	vst v57;
	v58 =	vmul.f32 v52, v49;
	v0 =	vadd.f32 v0, v63  }
0x1df: {  	v45 =	vsub.f32 v31, v6;
	[tilespmem:s10+$0x10] =	vst v8;
	v9 =	vadd.f32 v12, v55;
	v59 =	vmul.f32 v10, v51  }
0x1e0: {  	v1 =	vmul.f32 v50, v2;
	v5 =	vadd.f32 v5, v58;
	[tilespmem:s10+$0x20] =	vst v0;
	v3 =	vmul.f32 v3, v48  }
0x1e1: {  	v60 =	vmul.f32 v45, v25;
	v61 =	vmul.f32 v44, v53;
	[tilespmem:s10+$0x0] =	vst v9;
	v62 =	vadd.f32 v7, v59  }
.Ltmp6:
0x1e2: {  	[tilespmem:s10+$0xFFFFFFE0] =	vst v5;
	v1 =	vadd.f32 v1, v3;
	(pc) =	sbr.rel @p1 .LBB2_12-.Ltmp6, $4  }
0x1e3: {  	s6 =	sshll.u32 s8, $0x9;
	v3 =	vadd.f32 v60, v61;
	[tilespmem:s10+$0xFFFFFFF0] =	vst v62  }
0x1e4: {  	s9 =	sadd.s32 s3, s9;
	s6 =	sand.u32 $0xFFFF000, s6;
	[tilespmem:s10+$0xFFFFFFC0] =	vst v1  }
0x1e5: {  	s6 =	sadd.s32 s6, s9;
	[tilespmem:s10+$0x30] =	vst v3  }
0x1e6: {  	[hbm4b:s6+s16] =	stream.strided.scatter [tilespmem:s29], [sflag:$0x8], $0x1000, s17, s16, $0x38;
	[tilespmem:$0xD080] =	vst v63  }
0x1e7: {  	s6 =	sadd.s32 $0x4, s8  }
.Ltmp7:
0x1e8: {  	s8 =	sshll.u32 s6, $0x4;
	(pc) =	sbr.rel .LBB2_2-.Ltmp7, $4  }
0x1e9: {  	s6 =	sshll.u32 s6, $0xA;
	s8 =	sand.u32 $0x70, s8  }
0x1ea: {  	s6 =	sand.u32 $0xFFFE000, s6;
	s8 =	sadd.s32 s1, s8  }
0x1eb: {  	s5 =	sadd.s32 $0x1, s5;
	s6 =	sadd.s32 s6, s8  }
0x1ec: {  	[tilespmem:s20], [sflag:$0x4] =	stream.strided.gather [hbm4b:s6+s16], $0x2000, s17, s16, $0x38;
	[tilespmem:$0xD080] =	vst v63  }
.LBB2_13:
0x1ed: {  	_ =	sfence.sel $0x180000  }
0x1ee: {  	[bflag:$0x0] =	sbarrier.arrive $0xFFFF  }
0x1ef: {  	_ =	strace $0x90000047  }
0x1f0: {  	s0 =	stileid.u32;
	[bflag:$0x2] =	sbarrier.arrive $0xFFFF  }
0x1f1: {  	p0 =	sne.s32 s0, $0x0;
	s0 =	rddreg [dreg:$0x3]  }
0x1f2: {  	s0 =	sadd.s32 @!p0 $0x100000, s0  }
0x1f3: {  	[sflag:s0] =	ssyncadd.tile.s32 @!p0 $0x1;
	_ =	shalt  }
.Lfunc_end2:
_tile_overlayer_lowered:
.L_overlay_start_2:
0x1f4: {  	(tag) =	ssettag $0x2  }
0x1f5: {  	s0 =	rddreg [dreg:$0x0];
	s2 =	stileid.u32  }
0x1f6: {  	s1 =	rddreg [dreg:$0x1];
	p0 =	sne.s32 s2, $0x0  }
0x1f7: {  	s3 =	rddreg [dreg:$0x2];
	[bflag:$0x3] =	sbarrier.arrive $0xFFFF;
	s2 =	simm.s32 @!p0 $0x1C09  }
0x1f8: {  	[timem:s3], [sflag:s2] =	dma.local @!p0 [hbm:s0], s1  }
0x1f9: {  	s0 =	simm.s32 @!p0 $0x9  }
0x1fa: {  	_ =	swait.ge @!p0 [sflag:s0], s1  }
0x1fb: {  	s1 =	ssub.s32 @!p0 $0x0, s1;
	[sflag:s0] =	ssyncset.done @!p0 $0x0  }
0x1fc: {  	[sflag:s0] =	ssyncadd.s32 @!p0 s1  }
0x1fd: {  	[bflag:$0x3] =	sbarrier.arrive $0xFFFF  }
0x1fe: {  	_ =	shalt  }

</sc_bundles>
